<compile_context>
chip_gen: v7x
topology: tpu7x:2x2x1
jax: 0.10.2.dev20260603
libtpu: 0.0.44.dev20260713+nightly
codegen_flags: <defaults>
</compile_context>

<pallas_src>
import functools
import jax
import jax.numpy as jnp
from jax import lax
from jax.experimental import pallas as pl
from jax.experimental.pallas import tpu as pltpu
from jax.experimental.pallas import tpu_sc as plsc

_B, _D, _RANK, _K = 16384, 64, 6, 32
_SB = 1024
_NW = 32
_RPW = _SB // _NW
_CH = 32
_BM = 1024
_SCALE = 1.0 / (_RANK ** 0.5)
_INTMIN = -0x80000000


def _bf(v):
    b = lax.bitcast_convert_type(v, jnp.int32)
    b = (b + 0x7FFF + jnp.bitwise_and(lax.shift_right_logical(b, 16), 1))
    b = jnp.bitwise_and(b, -65536)
    return lax.bitcast_convert_type(b, jnp.float32)


def _sc_kernel(x_hbm, wst_hbm, bsel_hbm, ut_hbm, v_hbm, wg_hbm, bg_hbm,
               out_hbm, xbuf, obuf, wst, bsel, ut, vv, wg, bg, kbuf, xrow):
    wid = lax.axis_index("s") * 2 + lax.axis_index("c")
    base = wid * _RPW
    pltpu.sync_copy(wst_hbm, wst)
    pltpu.sync_copy(bsel_hbm, bsel)
    pltpu.sync_copy(ut_hbm, ut)
    pltpu.sync_copy(v_hbm, vv)
    pltpu.sync_copy(wg_hbm, wg)
    pltpu.sync_copy(bg_hbm, bg)

    lane = lax.iota(jnp.int32, 16)
    idx_c = [lane + 16 * c for c in range(4)]

    def row_body(r, carry):
        xv = [xbuf[r, pl.ds(16 * c, 16)] for c in range(4)]
        xr = [_bf(xv[c]) for c in range(4)]
        for c in range(4):
            xrow[pl.ds(16 * c, 16)] = xr[c]

        def sel_body(i, z):
            i16 = jnp.full((16,), i, jnp.int32)
            bxi = plsc.load_gather(xrow, [i16])
            return tuple(z[c] + bxi * wst[i, pl.ds(16 * c, 16)]
                         for c in range(4))

        z0 = tuple(bsel[pl.ds(16 * c, 16)] for c in range(4))
        z = lax.fori_loop(0, _D, sel_body, z0)

        kint = []
        for c in range(4):
            b = lax.bitcast_convert_type(z[c], jnp.int32)
            kc = jnp.where(b >= 0, b, _INTMIN - b)
            kbuf[pl.ds(16 * c, 16)] = kc
            kint.append(kc)

        kadj0 = tuple(kint[c] - (idx_c[c] > 0).astype(jnp.int32)
                      for c in range(4))
        rank0 = tuple(jnp.zeros((16,), jnp.int32) for _ in range(4))

        def rank_body(i, kr):
            kadj, rank = kr
            i16 = jnp.full((16,), i, jnp.int32)
            bki = plsc.load_gather(kbuf, [i16])
            rank = tuple(rank[c] + (bki > kadj[c]).astype(jnp.int32)
                         for c in range(4))
            kadj = tuple(kadj[c] + (idx_c[c] == i + 1).astype(jnp.int32)
                         for c in range(4))
            return kadj, rank

        _, rank = lax.fori_loop(0, _D, rank_body, (kadj0, rank0))

        xs = [jnp.where(rank[c] < _K, xv[c], 0.0) for c in range(4)]
        xsr = [jnp.where(rank[c] < _K, xr[c], 0.0) for c in range(4)]

        t = []
        for p in range(_RANK):
            acc = xsr[0] * ut[p, pl.ds(0, 16)]
            for c in range(1, 4):
                acc = acc + xsr[c] * ut[p, pl.ds(16 * c, 16)]
            t.append(_bf(jnp.broadcast_to(jnp.sum(acc), (16,))))
        cross = []
        for c in range(4):
            acc = t[0] * vv[0, pl.ds(16 * c, 16)]
            for p in range(1, _RANK):
                acc = acc + t[p] * vv[p, pl.ds(16 * c, 16)]
            cross.append(acc)
        xi = [xs[c] + _SCALE * (xs[c] * cross[c]) for c in range(4)]

        gacc = _bf(xi[0]) * wg[pl.ds(0, 16)]
        for c in range(1, 4):
            gacc = gacc + _bf(xi[c]) * wg[pl.ds(16 * c, 16)]
        gz = jnp.broadcast_to(jnp.sum(gacc), (16,)) + bg[...]
        g = 1.0 / (1.0 + jnp.exp(-gz))

        for c in range(4):
            obuf[r, pl.ds(16 * c, 16)] = g * xi[c] + (1.0 - g) * xs[c]
        return carry

    for ch in range(_RPW // _CH):
        cbase = base + ch * _CH
        pltpu.sync_copy(x_hbm.at[pl.ds(cbase, _CH)], xbuf)
        lax.fori_loop(0, _CH, row_body, 0)
        pltpu.sync_copy(obuf, out_hbm.at[pl.ds(cbase, _CH)])


def _tc_kernel(x_ref, wsel_ref, bsel_ref, u_ref, v_ref, wg_ref, bg_ref,
               out_ref):
    x = x_ref[...]
    xt = x.T
    zt = jax.lax.dot_general(wsel_ref[...], x, (((1,), (1,)), ((), ())),
                             preferred_element_type=jnp.float32)
    zt = zt + bsel_ref[...]

    row = jax.lax.broadcasted_iota(jnp.int32, (_D, _BM), 0)
    b = zt.view(jnp.int32)
    k = jnp.where(b >= 0, b, jnp.int32(_INTMIN) - b)

    kadj = jnp.where(row > 0, k - 1, k)
    rank = jnp.zeros((_D, _BM), jnp.int32)
    for i in range(_D):
        if i > 0:
            onehot = (row == i).astype(jnp.int32)
            kadj = kadj + onehot
        rank = rank + (kadj[i:i + 1, :] > kadj).astype(jnp.int32)
    xs = jnp.where(rank < _K, xt, 0.0)

    m = jnp.dot(u_ref[...], v_ref[...], preferred_element_type=jnp.float32)
    crosst = jax.lax.dot_general(m, xs, (((0,), (0,)), ((), ())),
                                 preferred_element_type=jnp.float32)
    xi = xs * (1.0 + _SCALE * crosst)

    g = jax.nn.sigmoid(
        jnp.sum(xi * wg_ref[...], axis=0, keepdims=True) + bg_ref[...])
    out_ref[...] = (g * xi + (1.0 - g) * xs).T


def kernel(x, W_sel, b_sel, U, V, W_gate, b_gate):
    bf = lambda a: a.astype(jnp.bfloat16).astype(jnp.float32)
    wst = bf(W_sel.T)
    ut = bf(U.T)
    vr = bf(V)
    wg = bf(W_gate.reshape(_D))
    bg16 = jnp.broadcast_to(b_gate.reshape(1), (16,))
    mesh = plsc.VectorSubcoreMesh(core_axis_name="c", subcore_axis_name="s")
    sc = functools.partial(
        pl.kernel,
        mesh=mesh,
        compiler_params=pltpu.CompilerParams(needs_layout_passes=False),
        out_type=jax.ShapeDtypeStruct((_SB, _D), jnp.float32),
        scratch_types=[
            pltpu.VMEM((_CH, _D), jnp.float32),
            pltpu.VMEM((_CH, _D), jnp.float32),
            pltpu.VMEM((_D, _D), jnp.float32),
            pltpu.VMEM((_D,), jnp.float32),
            pltpu.VMEM((_RANK, _D), jnp.float32),
            pltpu.VMEM((_RANK, _D), jnp.float32),
            pltpu.VMEM((_D,), jnp.float32),
            pltpu.VMEM((16,), jnp.float32),
            pltpu.VMEM((_D,), jnp.int32),
            pltpu.VMEM((_D,), jnp.float32),
        ],
    )(_sc_kernel)
    out_sc = sc(x[:_SB], wst, b_sel, ut, vr, wg, bg16)

    b_sel2 = b_sel.reshape(_D, 1)
    wg2 = W_gate.reshape(_D, 1)
    b_gate2 = b_gate.reshape(1, 1)
    grid = ((_B - _SB) // _BM,)
    out_tc = pl.pallas_call(
        _tc_kernel,
        grid=grid,
        in_specs=[
            pl.BlockSpec((_BM, _D), lambda i: (i, 0)),
            pl.BlockSpec((_D, _D), lambda i: (0, 0)),
            pl.BlockSpec((_D, 1), lambda i: (0, 0)),
            pl.BlockSpec((_D, _RANK), lambda i: (0, 0)),
            pl.BlockSpec((_RANK, _D), lambda i: (0, 0)),
            pl.BlockSpec((_D, 1), lambda i: (0, 0)),
            pl.BlockSpec((1, 1), lambda i: (0, 0)),
        ],
        out_specs=pl.BlockSpec((_BM, _D), lambda i: (i, 0)),
        out_shape=jax.ShapeDtypeStruct((_B - _SB, _D), jnp.float32),
        compiler_params=pltpu.CompilerParams(
            dimension_semantics=("parallel",)),
    )(x[_SB:], W_sel, b_sel2, U, V, wg2, b_gate2)

    return jnp.concatenate([out_sc, out_tc], axis=0)

# --- scband reference (transcript-rebuilt; emitter-appended) ---
"""Pipeline reference for scband-light-factor-fusion-87385404604945 (READ-ONLY COPY).

The authoritative reference and input builder live on the scoring server;
editing this copy changes nothing except your own understanding.
"""

import jax, jax.numpy as jnp
import numpy as np

B, D, RANK, K = 16384, 64, 6, 32

def setup_inputs(seed: int = 0) -> dict:
    key = jax.random.key(seed)
    ks = jax.random.split(key, 7)
    x = jax.random.normal(ks[0], (B, D), dtype=jnp.float32)
    W_sel = jax.random.normal(ks[1], (D, D), dtype=jnp.float32) * (1.0 / np.sqrt(D))
    b_sel = jnp.zeros((D,), dtype=jnp.float32)
    U = jax.random.normal(ks[2], (D, RANK), dtype=jnp.float32)
    V = jax.random.normal(ks[3], (RANK, D), dtype=jnp.float32)
    W_gate = jax.random.normal(ks[4], (1, D), dtype=jnp.float32) * (1.0 / np.sqrt(D))
    b_gate = jnp.zeros((1,), dtype=jnp.float32)
    return {"x": x, "W_sel": W_sel, "b_sel": b_sel, "U": U, "V": V, "W_gate": W_gate, "b_gate": b_gate}

def reference(x, W_sel, b_sel, U, V, W_gate, b_gate):
    scale = 1.0 / (RANK ** 0.5)
    # LightweightSTG
    feature_scores = jax.nn.sigmoid(x @ W_sel.T + b_sel)
    _, topk_idx = jax.lax.top_k(feature_scores, K)
    rows = jnp.arange(x.shape[0])[:, None]
    att_scores = jnp.zeros_like(feature_scores).at[rows, topk_idx].set(1.0)
    x_sparse = att_scores * x
    # LowRankInteraction
    cross = (x_sparse @ U) @ V
    x_inter = x_sparse + scale * (x_sparse * cross)
    # DynamicResidualFusion
    gate = jax.nn.sigmoid(x_inter @ W_gate.T + b_gate)
    x_fused = gate * x_inter + (1.0 - gate) * x_sparse
    return x_fused

if __name__ == "__main__":
    import jax
    _d = setup_inputs()
    print(jax.jit(kernel)(*tuple(_d.values())))

</pallas_src>

<mosaic_0001>
#map = affine_map<(d0, d1) -> (0, 0)>
#map1 = affine_map<(d0, d1) -> (0)>
module attributes {stable_mosaic.version = 14 : i64} {
  func.func @_sc_kernel(%arg0: i32, %arg1: i32, %arg2: memref<1024x64xf32, #tpu.memory_space<hbm>>, %arg3: memref<64x64xf32, #tpu.memory_space<hbm>>, %arg4: memref<64xf32, #tpu.memory_space<hbm>>, %arg5: memref<6x64xf32, #tpu.memory_space<hbm>>, %arg6: memref<6x64xf32, #tpu.memory_space<hbm>>, %arg7: memref<64xf32, #tpu.memory_space<hbm>>, %arg8: memref<16xf32, #tpu.memory_space<hbm>>, %arg9: memref<1024x64xf32, #tpu.memory_space<hbm>>, %arg10: memref<32x64xf32, #tpu.memory_space<vmem>>, %arg11: memref<32x64xf32, #tpu.memory_space<vmem>>, %arg12: memref<64x64xf32, #tpu.memory_space<vmem>>, %arg13: memref<64xf32, #tpu.memory_space<vmem>>, %arg14: memref<6x64xf32, #tpu.memory_space<vmem>>, %arg15: memref<6x64xf32, #tpu.memory_space<vmem>>, %arg16: memref<64xf32, #tpu.memory_space<vmem>>, %arg17: memref<16xf32, #tpu.memory_space<vmem>>, %arg18: memref<64xi32, #tpu.memory_space<vmem>>, %arg19: memref<64xf32, #tpu.memory_space<vmem>>) attributes {dimension_semantics = [#tpu.dimension_semantics<core_parallel>, #tpu.dimension_semantics<subcore_parallel>], iteration_bounds = array<i64: 2, 16>, scalar_prefetch = 0 : i64, scratch_operands = 10 : i64, tpu.core_type = #tpu.core_type<sc_vector_subcore>, window_params = [{transform_indices = #map}, {transform_indices = #map}, {transform_indices = #map1}, {transform_indices = #map}, {transform_indices = #map}, {transform_indices = #map1}, {transform_indices = #map1}, {transform_indices = #map}]} {
    %mul3A = arith.constant 2 : i32
    %mul3A_0 = arith.muli %arg1, %mul3A : i32
    %add3A = arith.addi %mul3A_0, %arg0 : i32
    %mul3A_1 = arith.constant 32 : i32
    %mul3A_2 = arith.muli %add3A, %mul3A_1 : i32
    "tpu.region"() ({
      %run_scoped3A = tpu.sem_alloc : memref<!tpu.dma_semaphore, #tpu.memory_space<semaphore_mem>>
      tpu.enqueue_dma source(%arg3 : memref<64x64xf32, #tpu.memory_space<hbm>>) target(%arg12 : memref<64x64xf32, #tpu.memory_space<vmem>>) target_semaphore(%run_scoped3A : memref<!tpu.dma_semaphore, #tpu.memory_space<semaphore_mem>>)
      tpu.wait_dma2 semaphore(%run_scoped3A : memref<!tpu.dma_semaphore, #tpu.memory_space<semaphore_mem>>) src(%arg3 : memref<64x64xf32, #tpu.memory_space<hbm>>) dst(%arg12 : memref<64x64xf32, #tpu.memory_space<vmem>>)
      tpu.yield
    }) : () -> ()
    "tpu.region"() ({
      %run_scoped3A = tpu.sem_alloc : memref<!tpu.dma_semaphore, #tpu.memory_space<semaphore_mem>>
      tpu.enqueue_dma source(%arg4 : memref<64xf32, #tpu.memory_space<hbm>>) target(%arg13 : memref<64xf32, #tpu.memory_space<vmem>>) target_semaphore(%run_scoped3A : memref<!tpu.dma_semaphore, #tpu.memory_space<semaphore_mem>>)
      tpu.wait_dma2 semaphore(%run_scoped3A : memref<!tpu.dma_semaphore, #tpu.memory_space<semaphore_mem>>) src(%arg4 : memref<64xf32, #tpu.memory_space<hbm>>) dst(%arg13 : memref<64xf32, #tpu.memory_space<vmem>>)
      tpu.yield
    }) : () -> ()
    "tpu.region"() ({
      %run_scoped3A = tpu.sem_alloc : memref<!tpu.dma_semaphore, #tpu.memory_space<semaphore_mem>>
      tpu.enqueue_dma source(%arg5 : memref<6x64xf32, #tpu.memory_space<hbm>>) target(%arg14 : memref<6x64xf32, #tpu.memory_space<vmem>>) target_semaphore(%run_scoped3A : memref<!tpu.dma_semaphore, #tpu.memory_space<semaphore_mem>>)
      tpu.wait_dma2 semaphore(%run_scoped3A : memref<!tpu.dma_semaphore, #tpu.memory_space<semaphore_mem>>) src(%arg5 : memref<6x64xf32, #tpu.memory_space<hbm>>) dst(%arg14 : memref<6x64xf32, #tpu.memory_space<vmem>>)
      tpu.yield
    }) : () -> ()
    "tpu.region"() ({
      %run_scoped3A = tpu.sem_alloc : memref<!tpu.dma_semaphore, #tpu.memory_space<semaphore_mem>>
      tpu.enqueue_dma source(%arg6 : memref<6x64xf32, #tpu.memory_space<hbm>>) target(%arg15 : memref<6x64xf32, #tpu.memory_space<vmem>>) target_semaphore(%run_scoped3A : memref<!tpu.dma_semaphore, #tpu.memory_space<semaphore_mem>>)
      tpu.wait_dma2 semaphore(%run_scoped3A : memref<!tpu.dma_semaphore, #tpu.memory_space<semaphore_mem>>) src(%arg6 : memref<6x64xf32, #tpu.memory_space<hbm>>) dst(%arg15 : memref<6x64xf32, #tpu.memory_space<vmem>>)
      tpu.yield
    }) : () -> ()
    "tpu.region"() ({
      %run_scoped3A = tpu.sem_alloc : memref<!tpu.dma_semaphore, #tpu.memory_space<semaphore_mem>>
      tpu.enqueue_dma source(%arg7 : memref<64xf32, #tpu.memory_space<hbm>>) target(%arg16 : memref<64xf32, #tpu.memory_space<vmem>>) target_semaphore(%run_scoped3A : memref<!tpu.dma_semaphore, #tpu.memory_space<semaphore_mem>>)
      tpu.wait_dma2 semaphore(%run_scoped3A : memref<!tpu.dma_semaphore, #tpu.memory_space<semaphore_mem>>) src(%arg7 : memref<64xf32, #tpu.memory_space<hbm>>) dst(%arg16 : memref<64xf32, #tpu.memory_space<vmem>>)
      tpu.yield
    }) : () -> ()
    "tpu.region"() ({
      %run_scoped3A = tpu.sem_alloc : memref<!tpu.dma_semaphore, #tpu.memory_space<semaphore_mem>>
      tpu.enqueue_dma source(%arg8 : memref<16xf32, #tpu.memory_space<hbm>>) target(%arg17 : memref<16xf32, #tpu.memory_space<vmem>>) target_semaphore(%run_scoped3A : memref<!tpu.dma_semaphore, #tpu.memory_space<semaphore_mem>>)
      tpu.wait_dma2 semaphore(%run_scoped3A : memref<!tpu.dma_semaphore, #tpu.memory_space<semaphore_mem>>) src(%arg8 : memref<16xf32, #tpu.memory_space<hbm>>) dst(%arg17 : memref<16xf32, #tpu.memory_space<vmem>>)
      tpu.yield
    }) : () -> ()
    %iota3A = tpu.iota {dimensions = array<i32: 0>} : vector<16xi32>
    %add3A_3 = arith.constant 0 : i32
    %add3A_4 = vector.broadcast %add3A_3 : i32 to vector<16xi32>
    %add3A_5 = arith.addi %iota3A, %add3A_4 : vector<16xi32>
    %add3A_6 = arith.constant 16 : i32
    %add3A_7 = vector.broadcast %add3A_6 : i32 to vector<16xi32>
    %add3A_8 = arith.addi %iota3A, %add3A_7 : vector<16xi32>
    %add3A_9 = arith.constant 32 : i32
    %add3A_10 = vector.broadcast %add3A_9 : i32 to vector<16xi32>
    %add3A_11 = arith.addi %iota3A, %add3A_10 : vector<16xi32>
    %add3A_12 = arith.constant 48 : i32
    %add3A_13 = vector.broadcast %add3A_12 : i32 to vector<16xi32>
    %add3A_14 = arith.addi %iota3A, %add3A_13 : vector<16xi32>
    %add3A_15 = arith.constant 0 : i32
    %add3A_16 = arith.addi %mul3A_2, %add3A_15 : i32
    "tpu.region"() ({
      %run_scoped3A = tpu.sem_alloc : memref<!tpu.dma_semaphore, #tpu.memory_space<semaphore_mem>>
      %dma_start3A = arith.constant 0 : i32
      %dma_start3A_22 = tpu.memref_slice %arg2[%add3A_16, %dma_start3A] : memref<1024x64xf32, #tpu.memory_space<hbm>> -> memref<32x64xf32, #tpu.memory_space<hbm>>
      %dma_start3A_23 = arith.constant 0 : i32
      %dma_start3A_24 = tpu.memref_slice %arg2[%add3A_16, %dma_start3A_23] : memref<1024x64xf32, #tpu.memory_space<hbm>> -> memref<32x64xf32, #tpu.memory_space<hbm>>
      tpu.enqueue_dma source(%dma_start3A_24 : memref<32x64xf32, #tpu.memory_space<hbm>>) target(%arg10 : memref<32x64xf32, #tpu.memory_space<vmem>>) target_semaphore(%run_scoped3A : memref<!tpu.dma_semaphore, #tpu.memory_space<semaphore_mem>>)
      %dma_wait3A = arith.constant 0 : i32
      %dma_wait3A_25 = tpu.memref_slice %arg2[%add3A_16, %dma_wait3A] : memref<1024x64xf32, #tpu.memory_space<hbm>> -> memref<32x64xf32, #tpu.memory_space<hbm>>
      %dma_wait3A_26 = arith.constant 0 : i32
      %dma_wait3A_27 = tpu.memref_slice %arg2[%add3A_16, %dma_wait3A_26] : memref<1024x64xf32, #tpu.memory_space<hbm>> -> memref<32x64xf32, #tpu.memory_space<hbm>>
      tpu.wait_dma2 semaphore(%run_scoped3A : memref<!tpu.dma_semaphore, #tpu.memory_space<semaphore_mem>>) src(%dma_wait3A_27 : memref<32x64xf32, #tpu.memory_space<hbm>>) dst(%arg10 : memref<32x64xf32, #tpu.memory_space<vmem>>)
      tpu.yield
    }) : () -> ()
    %scan3A = arith.constant 0 : i32
    %scan3A_17 = arith.constant 0 : i32
    %scan3A_18 = arith.constant 32 : i32
    %scan3A_19 = arith.addi %scan3A_17, %scan3A_18 : i32
    %scan3A_20 = arith.constant 1 : i32
    scf.for %scan3A_22 = %scan3A_17 to %scan3A_19 step %scan3A_20  : i32 {
      %get3A = arith.index_cast %scan3A_22 : i32 to index
      %get3A_23 = arith.constant 0 : index
      %get3A_24 = tpu.vector_load %arg10[%get3A, %get3A_23] {strides = array<i32>} : memref<32x64xf32, #tpu.memory_space<vmem>>, vector<16xf32>,
      %get3A_25 = arith.index_cast %scan3A_22 : i32 to index
      %get3A_26 = arith.constant 16 : index
      %get3A_27 = tpu.vector_load %arg10[%get3A_25, %get3A_26] {strides = array<i32>} : memref<32x64xf32, #tpu.memory_space<vmem>>, vector<16xf32>,
      %get3A_28 = arith.index_cast %scan3A_22 : i32 to index
      %get3A_29 = arith.constant 32 : index
      %get3A_30 = tpu.vector_load %arg10[%get3A_28, %get3A_29] {strides = array<i32>} : memref<32x64xf32, #tpu.memory_space<vmem>>, vector<16xf32>,
      %get3A_31 = arith.index_cast %scan3A_22 : i32 to index
      %get3A_32 = arith.constant 48 : index
      %get3A_33 = tpu.vector_load %arg10[%get3A_31, %get3A_32] {strides = array<i32>} : memref<32x64xf32, #tpu.memory_space<vmem>>, vector<16xf32>,
      %bitcast_convert_type3A = tpu.bitcast %get3A_24 : vector<16xf32> -> vector<16xi32>
      %add3A_34 = arith.constant 32767 : i32
      %add3A_35 = vector.broadcast %add3A_34 : i32 to vector<16xi32>
      %add3A_36 = arith.addi %bitcast_convert_type3A, %add3A_35 : vector<16xi32>
      %shift_right_logical3A = arith.constant 16 : i32
      %shift_right_logical3A_37 = vector.broadcast %shift_right_logical3A : i32 to vector<16xi32>
      %shift_right_logical3A_38 = arith.shrui %bitcast_convert_type3A, %shift_right_logical3A_37 : vector<16xi32>
      %and3A = arith.constant 1 : i32
      %and3A_39 = vector.broadcast %and3A : i32 to vector<16xi32>
      %and3A_40 = arith.andi %shift_right_logical3A_38, %and3A_39 : vector<16xi32>
      %add3A_41 = arith.addi %add3A_36, %and3A_40 : vector<16xi32>
      %and3A_42 = arith.constant -65536 : i32
      %and3A_43 = vector.broadcast %and3A_42 : i32 to vector<16xi32>
      %and3A_44 = arith.andi %add3A_41, %and3A_43 : vector<16xi32>
      %bitcast_convert_type3A_45 = tpu.bitcast %and3A_44 : vector<16xi32> -> vector<16xf32>
      %bitcast_convert_type3A_46 = tpu.bitcast %get3A_27 : vector<16xf32> -> vector<16xi32>
      %add3A_47 = arith.constant 32767 : i32
      %add3A_48 = vector.broadcast %add3A_47 : i32 to vector<16xi32>
      %add3A_49 = arith.addi %bitcast_convert_type3A_46, %add3A_48 : vector<16xi32>
      %shift_right_logical3A_50 = arith.constant 16 : i32
      %shift_right_logical3A_51 = vector.broadcast %shift_right_logical3A_50 : i32 to vector<16xi32>
      %shift_right_logical3A_52 = arith.shrui %bitcast_convert_type3A_46, %shift_right_logical3A_51 : vector<16xi32>
      %and3A_53 = arith.constant 1 : i32
      %and3A_54 = vector.broadcast %and3A_53 : i32 to vector<16xi32>
      %and3A_55 = arith.andi %shift_right_logical3A_52, %and3A_54 : vector<16xi32>
      %add3A_56 = arith.addi %add3A_49, %and3A_55 : vector<16xi32>
      %and3A_57 = arith.constant -65536 : i32
      %and3A_58 = vector.broadcast %and3A_57 : i32 to vector<16xi32>
      %and3A_59 = arith.andi %add3A_56, %and3A_58 : vector<16xi32>
      %bitcast_convert_type3A_60 = tpu.bitcast %and3A_59 : vector<16xi32> -> vector<16xf32>
      %bitcast_convert_type3A_61 = tpu.bitcast %get3A_30 : vector<16xf32> -> vector<16xi32>
      %add3A_62 = arith.constant 32767 : i32
      %add3A_63 = vector.broadcast %add3A_62 : i32 to vector<16xi32>
      %add3A_64 = arith.addi %bitcast_convert_type3A_61, %add3A_63 : vector<16xi32>
      %shift_right_logical3A_65 = arith.constant 16 : i32
      %shift_right_logical3A_66 = vector.broadcast %shift_right_logical3A_65 : i32 to vector<16xi32>
      %shift_right_logical3A_67 = arith.shrui %bitcast_convert_type3A_61, %shift_right_logical3A_66 : vector<16xi32>
      %and3A_68 = arith.constant 1 : i32
      %and3A_69 = vector.broadcast %and3A_68 : i32 to vector<16xi32>
      %and3A_70 = arith.andi %shift_right_logical3A_67, %and3A_69 : vector<16xi32>
      %add3A_71 = arith.addi %add3A_64, %and3A_70 : vector<16xi32>
      %and3A_72 = arith.constant -65536 : i32
      %and3A_73 = vector.broadcast %and3A_72 : i32 to vector<16xi32>
      %and3A_74 = arith.andi %add3A_71, %and3A_73 : vector<16xi32>
      %bitcast_convert_type3A_75 = tpu.bitcast %and3A_74 : vector<16xi32> -> vector<16xf32>
      %bitcast_convert_type3A_76 = tpu.bitcast %get3A_33 : vector<16xf32> -> vector<16xi32>
      %add3A_77 = arith.constant 32767 : i32
      %add3A_78 = vector.broadcast %add3A_77 : i32 to vector<16xi32>
      %add3A_79 = arith.addi %bitcast_convert_type3A_76, %add3A_78 : vector<16xi32>
      %shift_right_logical3A_80 = arith.constant 16 : i32
      %shift_right_logical3A_81 = vector.broadcast %shift_right_logical3A_80 : i32 to vector<16xi32>
      %shift_right_logical3A_82 = arith.shrui %bitcast_convert_type3A_76, %shift_right_logical3A_81 : vector<16xi32>
      %and3A_83 = arith.constant 1 : i32
      %and3A_84 = vector.broadcast %and3A_83 : i32 to vector<16xi32>
      %and3A_85 = arith.andi %shift_right_logical3A_82, %and3A_84 : vector<16xi32>
      %add3A_86 = arith.addi %add3A_79, %and3A_85 : vector<16xi32>
      %and3A_87 = arith.constant -65536 : i32
      %and3A_88 = vector.broadcast %and3A_87 : i32 to vector<16xi32>
      %and3A_89 = arith.andi %add3A_86, %and3A_88 : vector<16xi32>
      %bitcast_convert_type3A_90 = tpu.bitcast %and3A_89 : vector<16xi32> -> vector<16xf32>
      %swap3A = arith.constant 0 : index
      %swap3A_91 = tpu.vector_load %arg19[%swap3A] {strides = array<i32>} : memref<64xf32, #tpu.memory_space<vmem>>, vector<16xf32>,
      tpu.vector_store %arg19[%swap3A], %bitcast_convert_type3A_45 {strides = array<i32>} : memref<64xf32, #tpu.memory_space<vmem>>, vector<16xf32>,
      %swap3A_92 = arith.constant 16 : index
      %swap3A_93 = tpu.vector_load %arg19[%swap3A_92] {strides = array<i32>} : memref<64xf32, #tpu.memory_space<vmem>>, vector<16xf32>,
      tpu.vector_store %arg19[%swap3A_92], %bitcast_convert_type3A_60 {strides = array<i32>} : memref<64xf32, #tpu.memory_space<vmem>>, vector<16xf32>,
      %swap3A_94 = arith.constant 32 : index
      %swap3A_95 = tpu.vector_load %arg19[%swap3A_94] {strides = array<i32>} : memref<64xf32, #tpu.memory_space<vmem>>, vector<16xf32>,
      tpu.vector_store %arg19[%swap3A_94], %bitcast_convert_type3A_75 {strides = array<i32>} : memref<64xf32, #tpu.memory_space<vmem>>, vector<16xf32>,
      %swap3A_96 = arith.constant 48 : index
      %swap3A_97 = tpu.vector_load %arg19[%swap3A_96] {strides = array<i32>} : memref<64xf32, #tpu.memory_space<vmem>>, vector<16xf32>,
      tpu.vector_store %arg19[%swap3A_96], %bitcast_convert_type3A_90 {strides = array<i32>} : memref<64xf32, #tpu.memory_space<vmem>>, vector<16xf32>,
      %get3A_98 = arith.constant 0 : index
      %get3A_99 = tpu.vector_load %arg13[%get3A_98] {strides = array<i32>} : memref<64xf32, #tpu.memory_space<vmem>>, vector<16xf32>,
      %get3A_100 = arith.constant 16 : index
      %get3A_101 = tpu.vector_load %arg13[%get3A_100] {strides = array<i32>} : memref<64xf32, #tpu.memory_space<vmem>>, vector<16xf32>,
      %get3A_102 = arith.constant 32 : index
      %get3A_103 = tpu.vector_load %arg13[%get3A_102] {strides = array<i32>} : memref<64xf32, #tpu.memory_space<vmem>>, vector<16xf32>,
      %get3A_104 = arith.constant 48 : index
      %get3A_105 = tpu.vector_load %arg13[%get3A_104] {strides = array<i32>} : memref<64xf32, #tpu.memory_space<vmem>>, vector<16xf32>,
      %scan3A_106 = arith.constant 0 : i32
      %scan3A_107 = arith.constant 64 : i32
      %scan3A_108 = arith.addi %scan3A_106, %scan3A_107 : i32
      %scan3A_109 = arith.constant 1 : i32
      %scan3A_110:4 = scf.for %scan3A_769 = %scan3A_106 to %scan3A_108 step %scan3A_109 iter_args(%scan3A_770 = %get3A_99, %scan3A_771 = %get3A_101, %scan3A_772 = %get3A_103, %scan3A_773 = %get3A_105) -> (vector<16xf32>, vector<16xf32>, vector<16xf32>, vector<16xf32>)  : i32 {
        %broadcast_in_dim3A_774 = vector.broadcast %scan3A_769 : i32 to vector<16xi32>
        %gather3A = tpu.vector_load_idx %arg19[%broadcast_in_dim3A_774] : memref<64xf32, #tpu.memory_space<vmem>>[vector<16xi32>], vector<16xf32>,
        %get3A_775 = arith.index_cast %scan3A_769 : i32 to index
        %get3A_776 = arith.constant 0 : index
        %get3A_777 = tpu.vector_load %arg12[%get3A_775, %get3A_776] {strides = array<i32>} : memref<64x64xf32, #tpu.memory_space<vmem>>, vector<16xf32>,
        %mul3A_778 = arith.mulf %gather3A, %get3A_777 : vector<16xf32>
        %add3A_779 = arith.addf %scan3A_770, %mul3A_778 : vector<16xf32>
        %get3A_780 = arith.index_cast %scan3A_769 : i32 to index
        %get3A_781 = arith.constant 16 : index
        %get3A_782 = tpu.vector_load %arg12[%get3A_780, %get3A_781] {strides = array<i32>} : memref<64x64xf32, #tpu.memory_space<vmem>>, vector<16xf32>,
        %mul3A_783 = arith.mulf %gather3A, %get3A_782 : vector<16xf32>
        %add3A_784 = arith.addf %scan3A_771, %mul3A_783 : vector<16xf32>
        %get3A_785 = arith.index_cast %scan3A_769 : i32 to index
        %get3A_786 = arith.constant 32 : index
        %get3A_787 = tpu.vector_load %arg12[%get3A_785, %get3A_786] {strides = array<i32>} : memref<64x64xf32, #tpu.memory_space<vmem>>, vector<16xf32>,
        %mul3A_788 = arith.mulf %gather3A, %get3A_787 : vector<16xf32>
        %add3A_789 = arith.addf %scan3A_772, %mul3A_788 : vector<16xf32>
        %get3A_790 = arith.index_cast %scan3A_769 : i32 to index
        %get3A_791 = arith.constant 48 : index
        %get3A_792 = tpu.vector_load %arg12[%get3A_790, %get3A_791] {strides = array<i32>} : memref<64x64xf32, #tpu.memory_space<vmem>>, vector<16xf32>,
        %mul3A_793 = arith.mulf %gather3A, %get3A_792 : vector<16xf32>
        %add3A_794 = arith.addf %scan3A_773, %mul3A_793 : vector<16xf32>
        scf.yield %add3A_779, %add3A_784, %add3A_789, %add3A_794 : vector<16xf32>, vector<16xf32>, vector<16xf32>, vector<16xf32>
      }
      %scan3A_111 = arith.constant 64 : i32
      %bitcast_convert_type3A_112 = tpu.bitcast %scan3A_110#0 : vector<16xf32> -> vector<16xi32>
      %ge3A = arith.constant 0 : i32
      %ge3A_113 = vector.broadcast %ge3A : i32 to vector<16xi32>
      %ge3A_114 = arith.cmpi sge, %bitcast_convert_type3A_112, %ge3A_113 : vector<16xi32>
      %sub3A = arith.constant -2147483648 : i32
      %sub3A_115 = vector.broadcast %sub3A : i32 to vector<16xi32>
      %sub3A_116 = arith.subi %sub3A_115, %bitcast_convert_type3A_112 : vector<16xi32>
      %select_n3A = arith.select %ge3A_114, %bitcast_convert_type3A_112, %sub3A_116 : vector<16xi1>, vector<16xi32>
      %swap3A_117 = arith.constant 0 : index
      %swap3A_118 = tpu.vector_load %arg18[%swap3A_117] {strides = array<i32>} : memref<64xi32, #tpu.memory_space<vmem>>, vector<16xi32>,
      tpu.vector_store %arg18[%swap3A_117], %select_n3A {strides = array<i32>} : memref<64xi32, #tpu.memory_space<vmem>>, vector<16xi32>,
      %bitcast_convert_type3A_119 = tpu.bitcast %scan3A_110#1 : vector<16xf32> -> vector<16xi32>
      %ge3A_120 = arith.constant 0 : i32
      %ge3A_121 = vector.broadcast %ge3A_120 : i32 to vector<16xi32>
      %ge3A_122 = arith.cmpi sge, %bitcast_convert_type3A_119, %ge3A_121 : vector<16xi32>
      %sub3A_123 = arith.constant -2147483648 : i32
      %sub3A_124 = vector.broadcast %sub3A_123 : i32 to vector<16xi32>
      %sub3A_125 = arith.subi %sub3A_124, %bitcast_convert_type3A_119 : vector<16xi32>
      %select_n3A_126 = arith.select %ge3A_122, %bitcast_convert_type3A_119, %sub3A_125 : vector<16xi1>, vector<16xi32>
      %swap3A_127 = arith.constant 16 : index
      %swap3A_128 = tpu.vector_load %arg18[%swap3A_127] {strides = array<i32>} : memref<64xi32, #tpu.memory_space<vmem>>, vector<16xi32>,
      tpu.vector_store %arg18[%swap3A_127], %select_n3A_126 {strides = array<i32>} : memref<64xi32, #tpu.memory_space<vmem>>, vector<16xi32>,
      %bitcast_convert_type3A_129 = tpu.bitcast %scan3A_110#2 : vector<16xf32> -> vector<16xi32>
      %ge3A_130 = arith.constant 0 : i32
      %ge3A_131 = vector.broadcast %ge3A_130 : i32 to vector<16xi32>
      %ge3A_132 = arith.cmpi sge, %bitcast_convert_type3A_129, %ge3A_131 : vector<16xi32>
      %sub3A_133 = arith.constant -2147483648 : i32
      %sub3A_134 = vector.broadcast %sub3A_133 : i32 to vector<16xi32>
      %sub3A_135 = arith.subi %sub3A_134, %bitcast_convert_type3A_129 : vector<16xi32>
      %select_n3A_136 = arith.select %ge3A_132, %bitcast_convert_type3A_129, %sub3A_135 : vector<16xi1>, vector<16xi32>
      %swap3A_137 = arith.constant 32 : index
      %swap3A_138 = tpu.vector_load %arg18[%swap3A_137] {strides = array<i32>} : memref<64xi32, #tpu.memory_space<vmem>>, vector<16xi32>,
      tpu.vector_store %arg18[%swap3A_137], %select_n3A_136 {strides = array<i32>} : memref<64xi32, #tpu.memory_space<vmem>>, vector<16xi32>,
      %bitcast_convert_type3A_139 = tpu.bitcast %scan3A_110#3 : vector<16xf32> -> vector<16xi32>
      %ge3A_140 = arith.constant 0 : i32
      %ge3A_141 = vector.broadcast %ge3A_140 : i32 to vector<16xi32>
      %ge3A_142 = arith.cmpi sge, %bitcast_convert_type3A_139, %ge3A_141 : vector<16xi32>
      %sub3A_143 = arith.constant -2147483648 : i32
      %sub3A_144 = vector.broadcast %sub3A_143 : i32 to vector<16xi32>
      %sub3A_145 = arith.subi %sub3A_144, %bitcast_convert_type3A_139 : vector<16xi32>
      %select_n3A_146 = arith.select %ge3A_142, %bitcast_convert_type3A_139, %sub3A_145 : vector<16xi1>, vector<16xi32>
      %swap3A_147 = arith.constant 48 : index
      %swap3A_148 = tpu.vector_load %arg18[%swap3A_147] {strides = array<i32>} : memref<64xi32, #tpu.memory_space<vmem>>, vector<16xi32>,
      tpu.vector_store %arg18[%swap3A_147], %select_n3A_146 {strides = array<i32>} : memref<64xi32, #tpu.memory_space<vmem>>, vector<16xi32>,
      %gt3A = arith.constant 0 : i32
      %gt3A_149 = vector.broadcast %gt3A : i32 to vector<16xi32>
      %gt3A_150 = arith.cmpi sgt, %add3A_5, %gt3A_149 : vector<16xi32>
      %convert_element_type3A = arith.extui %gt3A_150 : vector<16xi1> to vector<16xi32>
      %sub3A_151 = arith.subi %select_n3A, %convert_element_type3A : vector<16xi32>
      %gt3A_152 = arith.constant 0 : i32
      %gt3A_153 = vector.broadcast %gt3A_152 : i32 to vector<16xi32>
      %gt3A_154 = arith.cmpi sgt, %add3A_8, %gt3A_153 : vector<16xi32>
      %convert_element_type3A_155 = arith.extui %gt3A_154 : vector<16xi1> to vector<16xi32>
      %sub3A_156 = arith.subi %select_n3A_126, %convert_element_type3A_155 : vector<16xi32>
      %gt3A_157 = arith.constant 0 : i32
      %gt3A_158 = vector.broadcast %gt3A_157 : i32 to vector<16xi32>
      %gt3A_159 = arith.cmpi sgt, %add3A_11, %gt3A_158 : vector<16xi32>
      %convert_element_type3A_160 = arith.extui %gt3A_159 : vector<16xi1> to vector<16xi32>
      %sub3A_161 = arith.subi %select_n3A_136, %convert_element_type3A_160 : vector<16xi32>
      %gt3A_162 = arith.constant 0 : i32
      %gt3A_163 = vector.broadcast %gt3A_162 : i32 to vector<16xi32>
      %gt3A_164 = arith.cmpi sgt, %add3A_14, %gt3A_163 : vector<16xi32>
      %convert_element_type3A_165 = arith.extui %gt3A_164 : vector<16xi1> to vector<16xi32>
      %sub3A_166 = arith.subi %select_n3A_146, %convert_element_type3A_165 : vector<16xi32>
      %broadcast_in_dim3A = arith.constant 0 : i32
      %broadcast_in_dim3A_167 = vector.broadcast %broadcast_in_dim3A : i32 to vector<16xi32>
      %broadcast_in_dim3A_168 = arith.constant 0 : i32
      %broadcast_in_dim3A_169 = vector.broadcast %broadcast_in_dim3A_168 : i32 to vector<16xi32>
      %broadcast_in_dim3A_170 = arith.constant 0 : i32
      %broadcast_in_dim3A_171 = vector.broadcast %broadcast_in_dim3A_170 : i32 to vector<16xi32>
      %broadcast_in_dim3A_172 = arith.constant 0 : i32
      %broadcast_in_dim3A_173 = vector.broadcast %broadcast_in_dim3A_172 : i32 to vector<16xi32>
      %scan3A_174 = arith.constant 0 : i32
      %scan3A_175 = arith.constant 64 : i32
      %scan3A_176 = arith.addi %scan3A_174, %scan3A_175 : i32
      %scan3A_177 = arith.constant 1 : i32
      %scan3A_178:8 = scf.for %scan3A_769 = %scan3A_174 to %scan3A_176 step %scan3A_177 iter_args(%scan3A_770 = %sub3A_151, %scan3A_771 = %sub3A_156, %scan3A_772 = %sub3A_161, %scan3A_773 = %sub3A_166, %scan3A_774 = %broadcast_in_dim3A_167, %scan3A_775 = %broadcast_in_dim3A_169, %scan3A_776 = %broadcast_in_dim3A_171, %scan3A_777 = %broadcast_in_dim3A_173) -> (vector<16xi32>, vector<16xi32>, vector<16xi32>, vector<16xi32>, vector<16xi32>, vector<16xi32>, vector<16xi32>, vector<16xi32>)  : i32 {
        %broadcast_in_dim3A_778 = vector.broadcast %scan3A_769 : i32 to vector<16xi32>
        %gather3A = tpu.vector_load_idx %arg18[%broadcast_in_dim3A_778] : memref<64xi32, #tpu.memory_space<vmem>>[vector<16xi32>], vector<16xi32>,
        %gt3A_779 = arith.cmpi sgt, %gather3A, %scan3A_770 : vector<16xi32>
        %convert_element_type3A_780 = arith.extui %gt3A_779 : vector<16xi1> to vector<16xi32>
        %add3A_781 = arith.addi %scan3A_774, %convert_element_type3A_780 : vector<16xi32>
        %gt3A_782 = arith.cmpi sgt, %gather3A, %scan3A_771 : vector<16xi32>
        %convert_element_type3A_783 = arith.extui %gt3A_782 : vector<16xi1> to vector<16xi32>
        %add3A_784 = arith.addi %scan3A_775, %convert_element_type3A_783 : vector<16xi32>
        %gt3A_785 = arith.cmpi sgt, %gather3A, %scan3A_772 : vector<16xi32>
        %convert_element_type3A_786 = arith.extui %gt3A_785 : vector<16xi1> to vector<16xi32>
        %add3A_787 = arith.addi %scan3A_776, %convert_element_type3A_786 : vector<16xi32>
        %gt3A_788 = arith.cmpi sgt, %gather3A, %scan3A_773 : vector<16xi32>
        %convert_element_type3A_789 = arith.extui %gt3A_788 : vector<16xi1> to vector<16xi32>
        %add3A_790 = arith.addi %scan3A_777, %convert_element_type3A_789 : vector<16xi32>
        %add3A_791 = arith.constant 1 : i32
        %add3A_792 = arith.addi %scan3A_769, %add3A_791 : i32
        %eq3A = vector.broadcast %add3A_792 : i32 to vector<16xi32>
        %eq3A_793 = arith.cmpi eq, %add3A_5, %eq3A : vector<16xi32>
        %convert_element_type3A_794 = arith.extui %eq3A_793 : vector<16xi1> to vector<16xi32>
        %add3A_795 = arith.addi %scan3A_770, %convert_element_type3A_794 : vector<16xi32>
        %add3A_796 = arith.constant 1 : i32
        %add3A_797 = arith.addi %scan3A_769, %add3A_796 : i32
        %eq3A_798 = vector.broadcast %add3A_797 : i32 to vector<16xi32>
        %eq3A_799 = arith.cmpi eq, %add3A_8, %eq3A_798 : vector<16xi32>
        %convert_element_type3A_800 = arith.extui %eq3A_799 : vector<16xi1> to vector<16xi32>
        %add3A_801 = arith.addi %scan3A_771, %convert_element_type3A_800 : vector<16xi32>
        %add3A_802 = arith.constant 1 : i32
        %add3A_803 = arith.addi %scan3A_769, %add3A_802 : i32
        %eq3A_804 = vector.broadcast %add3A_803 : i32 to vector<16xi32>
        %eq3A_805 = arith.cmpi eq, %add3A_11, %eq3A_804 : vector<16xi32>
        %convert_element_type3A_806 = arith.extui %eq3A_805 : vector<16xi1> to vector<16xi32>
        %add3A_807 = arith.addi %scan3A_772, %convert_element_type3A_806 : vector<16xi32>
        %add3A_808 = arith.constant 1 : i32
        %add3A_809 = arith.addi %scan3A_769, %add3A_808 : i32
        %eq3A_810 = vector.broadcast %add3A_809 : i32 to vector<16xi32>
        %eq3A_811 = arith.cmpi eq, %add3A_14, %eq3A_810 : vector<16xi32>
        %convert_element_type3A_812 = arith.extui %eq3A_811 : vector<16xi1> to vector<16xi32>
        %add3A_813 = arith.addi %scan3A_773, %convert_element_type3A_812 : vector<16xi32>
        scf.yield %add3A_795, %add3A_801, %add3A_807, %add3A_813, %add3A_781, %add3A_784, %add3A_787, %add3A_790 : vector<16xi32>, vector<16xi32>, vector<16xi32>, vector<16xi32>, vector<16xi32>, vector<16xi32>, vector<16xi32>, vector<16xi32>
      }
      %scan3A_179 = arith.constant 64 : i32
      %lt3A = arith.constant 32 : i32
      %lt3A_180 = vector.broadcast %lt3A : i32 to vector<16xi32>
      %lt3A_181 = arith.cmpi slt, %scan3A_178#4, %lt3A_180 : vector<16xi32>
      %jit3A = arith.constant 0.000000e+00 : f32
      %broadcast_in_dim3A_182 = vector.broadcast %jit3A : f32 to vector<16xf32>
      %select_n3A_183 = arith.select %lt3A_181, %get3A_24, %broadcast_in_dim3A_182 : vector<16xi1>, vector<16xf32>
      %lt3A_184 = arith.constant 32 : i32
      %lt3A_185 = vector.broadcast %lt3A_184 : i32 to vector<16xi32>
      %lt3A_186 = arith.cmpi slt, %scan3A_178#5, %lt3A_185 : vector<16xi32>
      %jit3A_187 = arith.constant 0.000000e+00 : f32
      %broadcast_in_dim3A_188 = vector.broadcast %jit3A_187 : f32 to vector<16xf32>
      %select_n3A_189 = arith.select %lt3A_186, %get3A_27, %broadcast_in_dim3A_188 : vector<16xi1>, vector<16xf32>
      %lt3A_190 = arith.constant 32 : i32
      %lt3A_191 = vector.broadcast %lt3A_190 : i32 to vector<16xi32>
      %lt3A_192 = arith.cmpi slt, %scan3A_178#6, %lt3A_191 : vector<16xi32>
      %jit3A_193 = arith.constant 0.000000e+00 : f32
      %broadcast_in_dim3A_194 = vector.broadcast %jit3A_193 : f32 to vector<16xf32>
      %select_n3A_195 = arith.select %lt3A_192, %get3A_30, %broadcast_in_dim3A_194 : vector<16xi1>, vector<16xf32>
      %lt3A_196 = arith.constant 32 : i32
      %lt3A_197 = vector.broadcast %lt3A_196 : i32 to vector<16xi32>
      %lt3A_198 = arith.cmpi slt, %scan3A_178#7, %lt3A_197 : vector<16xi32>
      %jit3A_199 = arith.constant 0.000000e+00 : f32
      %broadcast_in_dim3A_200 = vector.broadcast %jit3A_199 : f32 to vector<16xf32>
      %select_n3A_201 = arith.select %lt3A_198, %get3A_33, %broadcast_in_dim3A_200 : vector<16xi1>, vector<16xf32>
      %lt3A_202 = arith.constant 32 : i32
      %lt3A_203 = vector.broadcast %lt3A_202 : i32 to vector<16xi32>
      %lt3A_204 = arith.cmpi slt, %scan3A_178#4, %lt3A_203 : vector<16xi32>
      %jit3A_205 = arith.constant 0.000000e+00 : f32
      %broadcast_in_dim3A_206 = vector.broadcast %jit3A_205 : f32 to vector<16xf32>
      %select_n3A_207 = arith.select %lt3A_204, %bitcast_convert_type3A_45, %broadcast_in_dim3A_206 : vector<16xi1>, vector<16xf32>
      %lt3A_208 = arith.constant 32 : i32
      %lt3A_209 = vector.broadcast %lt3A_208 : i32 to vector<16xi32>
      %lt3A_210 = arith.cmpi slt, %scan3A_178#5, %lt3A_209 : vector<16xi32>
      %jit3A_211 = arith.constant 0.000000e+00 : f32
      %broadcast_in_dim3A_212 = vector.broadcast %jit3A_211 : f32 to vector<16xf32>
      %select_n3A_213 = arith.select %lt3A_210, %bitcast_convert_type3A_60, %broadcast_in_dim3A_212 : vector<16xi1>, vector<16xf32>
      %lt3A_214 = arith.constant 32 : i32
      %lt3A_215 = vector.broadcast %lt3A_214 : i32 to vector<16xi32>
      %lt3A_216 = arith.cmpi slt, %scan3A_178#6, %lt3A_215 : vector<16xi32>
      %jit3A_217 = arith.constant 0.000000e+00 : f32
      %broadcast_in_dim3A_218 = vector.broadcast %jit3A_217 : f32 to vector<16xf32>
      %select_n3A_219 = arith.select %lt3A_216, %bitcast_convert_type3A_75, %broadcast_in_dim3A_218 : vector<16xi1>, vector<16xf32>
      %lt3A_220 = arith.constant 32 : i32
      %lt3A_221 = vector.broadcast %lt3A_220 : i32 to vector<16xi32>
      %lt3A_222 = arith.cmpi slt, %scan3A_178#7, %lt3A_221 : vector<16xi32>
      %jit3A_223 = arith.constant 0.000000e+00 : f32
      %broadcast_in_dim3A_224 = vector.broadcast %jit3A_223 : f32 to vector<16xf32>
      %select_n3A_225 = arith.select %lt3A_222, %bitcast_convert_type3A_90, %broadcast_in_dim3A_224 : vector<16xi1>, vector<16xf32>
      %get3A_226 = arith.constant 0 : i32
      %get3A_227 = arith.index_cast %get3A_226 : i32 to index
      %get3A_228 = arith.constant 0 : index
      %get3A_229 = tpu.vector_load %arg14[%get3A_227, %get3A_228] {strides = array<i32>} : memref<6x64xf32, #tpu.memory_space<vmem>>, vector<16xf32>,
      %mul3A_230 = arith.mulf %select_n3A_207, %get3A_229 : vector<16xf32>
      %get3A_231 = arith.constant 0 : i32
      %get3A_232 = arith.index_cast %get3A_231 : i32 to index
      %get3A_233 = arith.constant 16 : index
      %get3A_234 = tpu.vector_load %arg14[%get3A_232, %get3A_233] {strides = array<i32>} : memref<6x64xf32, #tpu.memory_space<vmem>>, vector<16xf32>,
      %mul3A_235 = arith.mulf %select_n3A_213, %get3A_234 : vector<16xf32>
      %add3A_236 = arith.addf %mul3A_230, %mul3A_235 : vector<16xf32>
      %get3A_237 = arith.constant 0 : i32
      %get3A_238 = arith.index_cast %get3A_237 : i32 to index
      %get3A_239 = arith.constant 32 : index
      %get3A_240 = tpu.vector_load %arg14[%get3A_238, %get3A_239] {strides = array<i32>} : memref<6x64xf32, #tpu.memory_space<vmem>>, vector<16xf32>,
      %mul3A_241 = arith.mulf %select_n3A_219, %get3A_240 : vector<16xf32>
      %add3A_242 = arith.addf %add3A_236, %mul3A_241 : vector<16xf32>
      %get3A_243 = arith.constant 0 : i32
      %get3A_244 = arith.index_cast %get3A_243 : i32 to index
      %get3A_245 = arith.constant 48 : index
      %get3A_246 = tpu.vector_load %arg14[%get3A_244, %get3A_245] {strides = array<i32>} : memref<6x64xf32, #tpu.memory_space<vmem>>, vector<16xf32>,
      %mul3A_247 = arith.mulf %select_n3A_225, %get3A_246 : vector<16xf32>
      %add3A_248 = arith.addf %add3A_242, %mul3A_247 : vector<16xf32>
      %reduce_sum3A = arith.constant true
      %reduce_sum3A_249 = vector.broadcast %reduce_sum3A : i1 to vector<16xi1>
      %reduce_sum3A_250 = tpu.scan <sum>, %add3A_248 masked %reduce_sum3A_249 : vector<16xf32>, vector<16xi1> -> vector<16xf32>
      %reduce_sum3A_251 = vector.extract %reduce_sum3A_250[15] : f32 from vector<16xf32>
      %broadcast_in_dim3A_252 = vector.broadcast %reduce_sum3A_251 : f32 to vector<16xf32>
      %bitcast_convert_type3A_253 = tpu.bitcast %broadcast_in_dim3A_252 : vector<16xf32> -> vector<16xi32>
      %add3A_254 = arith.constant 32767 : i32
      %add3A_255 = vector.broadcast %add3A_254 : i32 to vector<16xi32>
      %add3A_256 = arith.addi %bitcast_convert_type3A_253, %add3A_255 : vector<16xi32>
      %shift_right_logical3A_257 = arith.constant 16 : i32
      %shift_right_logical3A_258 = vector.broadcast %shift_right_logical3A_257 : i32 to vector<16xi32>
      %shift_right_logical3A_259 = arith.shrui %bitcast_convert_type3A_253, %shift_right_logical3A_258 : vector<16xi32>
      %and3A_260 = arith.constant 1 : i32
      %and3A_261 = vector.broadcast %and3A_260 : i32 to vector<16xi32>
      %and3A_262 = arith.andi %shift_right_logical3A_259, %and3A_261 : vector<16xi32>
      %add3A_263 = arith.addi %add3A_256, %and3A_262 : vector<16xi32>
      %and3A_264 = arith.constant -65536 : i32
      %and3A_265 = vector.broadcast %and3A_264 : i32 to vector<16xi32>
      %and3A_266 = arith.andi %add3A_263, %and3A_265 : vector<16xi32>
      %bitcast_convert_type3A_267 = tpu.bitcast %and3A_266 : vector<16xi32> -> vector<16xf32>
      %get3A_268 = arith.constant 1 : i32
      %get3A_269 = arith.index_cast %get3A_268 : i32 to index
      %get3A_270 = arith.constant 0 : index
      %get3A_271 = tpu.vector_load %arg14[%get3A_269, %get3A_270] {strides = array<i32>} : memref<6x64xf32, #tpu.memory_space<vmem>>, vector<16xf32>,
      %mul3A_272 = arith.mulf %select_n3A_207, %get3A_271 : vector<16xf32>
      %get3A_273 = arith.constant 1 : i32
      %get3A_274 = arith.index_cast %get3A_273 : i32 to index
      %get3A_275 = arith.constant 16 : index
      %get3A_276 = tpu.vector_load %arg14[%get3A_274, %get3A_275] {strides = array<i32>} : memref<6x64xf32, #tpu.memory_space<vmem>>, vector<16xf32>,
      %mul3A_277 = arith.mulf %select_n3A_213, %get3A_276 : vector<16xf32>
      %add3A_278 = arith.addf %mul3A_272, %mul3A_277 : vector<16xf32>
      %get3A_279 = arith.constant 1 : i32
      %get3A_280 = arith.index_cast %get3A_279 : i32 to index
      %get3A_281 = arith.constant 32 : index
      %get3A_282 = tpu.vector_load %arg14[%get3A_280, %get3A_281] {strides = array<i32>} : memref<6x64xf32, #tpu.memory_space<vmem>>, vector<16xf32>,
      %mul3A_283 = arith.mulf %select_n3A_219, %get3A_282 : vector<16xf32>
      %add3A_284 = arith.addf %add3A_278, %mul3A_283 : vector<16xf32>
      %get3A_285 = arith.constant 1 : i32
      %get3A_286 = arith.index_cast %get3A_285 : i32 to index
      %get3A_287 = arith.constant 48 : index
      %get3A_288 = tpu.vector_load %arg14[%get3A_286, %get3A_287] {strides = array<i32>} : memref<6x64xf32, #tpu.memory_space<vmem>>, vector<16xf32>,
      %mul3A_289 = arith.mulf %select_n3A_225, %get3A_288 : vector<16xf32>
      %add3A_290 = arith.addf %add3A_284, %mul3A_289 : vector<16xf32>
      %reduce_sum3A_291 = arith.constant true
      %reduce_sum3A_292 = vector.broadcast %reduce_sum3A_291 : i1 to vector<16xi1>
      %reduce_sum3A_293 = tpu.scan <sum>, %add3A_290 masked %reduce_sum3A_292 : vector<16xf32>, vector<16xi1> -> vector<16xf32>
      %reduce_sum3A_294 = vector.extract %reduce_sum3A_293[15] : f32 from vector<16xf32>
      %broadcast_in_dim3A_295 = vector.broadcast %reduce_sum3A_294 : f32 to vector<16xf32>
      %bitcast_convert_type3A_296 = tpu.bitcast %broadcast_in_dim3A_295 : vector<16xf32> -> vector<16xi32>
      %add3A_297 = arith.constant 32767 : i32
      %add3A_298 = vector.broadcast %add3A_297 : i32 to vector<16xi32>
      %add3A_299 = arith.addi %bitcast_convert_type3A_296, %add3A_298 : vector<16xi32>
      %shift_right_logical3A_300 = arith.constant 16 : i32
      %shift_right_logical3A_301 = vector.broadcast %shift_right_logical3A_300 : i32 to vector<16xi32>
      %shift_right_logical3A_302 = arith.shrui %bitcast_convert_type3A_296, %shift_right_logical3A_301 : vector<16xi32>
      %and3A_303 = arith.constant 1 : i32
      %and3A_304 = vector.broadcast %and3A_303 : i32 to vector<16xi32>
      %and3A_305 = arith.andi %shift_right_logical3A_302, %and3A_304 : vector<16xi32>
      %add3A_306 = arith.addi %add3A_299, %and3A_305 : vector<16xi32>
      %and3A_307 = arith.constant -65536 : i32
      %and3A_308 = vector.broadcast %and3A_307 : i32 to vector<16xi32>
      %and3A_309 = arith.andi %add3A_306, %and3A_308 : vector<16xi32>
      %bitcast_convert_type3A_310 = tpu.bitcast %and3A_309 : vector<16xi32> -> vector<16xf32>
      %get3A_311 = arith.constant 2 : i32
      %get3A_312 = arith.index_cast %get3A_311 : i32 to index
      %get3A_313 = arith.constant 0 : index
      %get3A_314 = tpu.vector_load %arg14[%get3A_312, %get3A_313] {strides = array<i32>} : memref<6x64xf32, #tpu.memory_space<vmem>>, vector<16xf32>,
      %mul3A_315 = arith.mulf %select_n3A_207, %get3A_314 : vector<16xf32>
      %get3A_316 = arith.constant 2 : i32
      %get3A_317 = arith.index_cast %get3A_316 : i32 to index
      %get3A_318 = arith.constant 16 : index
      %get3A_319 = tpu.vector_load %arg14[%get3A_317, %get3A_318] {strides = array<i32>} : memref<6x64xf32, #tpu.memory_space<vmem>>, vector<16xf32>,
      %mul3A_320 = arith.mulf %select_n3A_213, %get3A_319 : vector<16xf32>
      %add3A_321 = arith.addf %mul3A_315, %mul3A_320 : vector<16xf32>
      %get3A_322 = arith.constant 2 : i32
      %get3A_323 = arith.index_cast %get3A_322 : i32 to index
      %get3A_324 = arith.constant 32 : index
      %get3A_325 = tpu.vector_load %arg14[%get3A_323, %get3A_324] {strides = array<i32>} : memref<6x64xf32, #tpu.memory_space<vmem>>, vector<16xf32>,
      %mul3A_326 = arith.mulf %select_n3A_219, %get3A_325 : vector<16xf32>
      %add3A_327 = arith.addf %add3A_321, %mul3A_326 : vector<16xf32>
      %get3A_328 = arith.constant 2 : i32
      %get3A_329 = arith.index_cast %get3A_328 : i32 to index
      %get3A_330 = arith.constant 48 : index
      %get3A_331 = tpu.vector_load %arg14[%get3A_329, %get3A_330] {strides = array<i32>} : memref<6x64xf32, #tpu.memory_space<vmem>>, vector<16xf32>,
      %mul3A_332 = arith.mulf %select_n3A_225, %get3A_331 : vector<16xf32>
      %add3A_333 = arith.addf %add3A_327, %mul3A_332 : vector<16xf32>
      %reduce_sum3A_334 = arith.constant true
      %reduce_sum3A_335 = vector.broadcast %reduce_sum3A_334 : i1 to vector<16xi1>
      %reduce_sum3A_336 = tpu.scan <sum>, %add3A_333 masked %reduce_sum3A_335 : vector<16xf32>, vector<16xi1> -> vector<16xf32>
      %reduce_sum3A_337 = vector.extract %reduce_sum3A_336[15] : f32 from vector<16xf32>
      %broadcast_in_dim3A_338 = vector.broadcast %reduce_sum3A_337 : f32 to vector<16xf32>
      %bitcast_convert_type3A_339 = tpu.bitcast %broadcast_in_dim3A_338 : vector<16xf32> -> vector<16xi32>
      %add3A_340 = arith.constant 32767 : i32
      %add3A_341 = vector.broadcast %add3A_340 : i32 to vector<16xi32>
      %add3A_342 = arith.addi %bitcast_convert_type3A_339, %add3A_341 : vector<16xi32>
      %shift_right_logical3A_343 = arith.constant 16 : i32
      %shift_right_logical3A_344 = vector.broadcast %shift_right_logical3A_343 : i32 to vector<16xi32>
      %shift_right_logical3A_345 = arith.shrui %bitcast_convert_type3A_339, %shift_right_logical3A_344 : vector<16xi32>
      %and3A_346 = arith.constant 1 : i32
      %and3A_347 = vector.broadcast %and3A_346 : i32 to vector<16xi32>
      %and3A_348 = arith.andi %shift_right_logical3A_345, %and3A_347 : vector<16xi32>
      %add3A_349 = arith.addi %add3A_342, %and3A_348 : vector<16xi32>
      %and3A_350 = arith.constant -65536 : i32
      %and3A_351 = vector.broadcast %and3A_350 : i32 to vector<16xi32>
      %and3A_352 = arith.andi %add3A_349, %and3A_351 : vector<16xi32>
      %bitcast_convert_type3A_353 = tpu.bitcast %and3A_352 : vector<16xi32> -> vector<16xf32>
      %get3A_354 = arith.constant 3 : i32
      %get3A_355 = arith.index_cast %get3A_354 : i32 to index
      %get3A_356 = arith.constant 0 : index
      %get3A_357 = tpu.vector_load %arg14[%get3A_355, %get3A_356] {strides = array<i32>} : memref<6x64xf32, #tpu.memory_space<vmem>>, vector<16xf32>,
      %mul3A_358 = arith.mulf %select_n3A_207, %get3A_357 : vector<16xf32>
      %get3A_359 = arith.constant 3 : i32
      %get3A_360 = arith.index_cast %get3A_359 : i32 to index
      %get3A_361 = arith.constant 16 : index
      %get3A_362 = tpu.vector_load %arg14[%get3A_360, %get3A_361] {strides = array<i32>} : memref<6x64xf32, #tpu.memory_space<vmem>>, vector<16xf32>,
      %mul3A_363 = arith.mulf %select_n3A_213, %get3A_362 : vector<16xf32>
      %add3A_364 = arith.addf %mul3A_358, %mul3A_363 : vector<16xf32>
      %get3A_365 = arith.constant 3 : i32
      %get3A_366 = arith.index_cast %get3A_365 : i32 to index
      %get3A_367 = arith.constant 32 : index
      %get3A_368 = tpu.vector_load %arg14[%get3A_366, %get3A_367] {strides = array<i32>} : memref<6x64xf32, #tpu.memory_space<vmem>>, vector<16xf32>,
      %mul3A_369 = arith.mulf %select_n3A_219, %get3A_368 : vector<16xf32>
      %add3A_370 = arith.addf %add3A_364, %mul3A_369 : vector<16xf32>
      %get3A_371 = arith.constant 3 : i32
      %get3A_372 = arith.index_cast %get3A_371 : i32 to index
      %get3A_373 = arith.constant 48 : index
      %get3A_374 = tpu.vector_load %arg14[%get3A_372, %get3A_373] {strides = array<i32>} : memref<6x64xf32, #tpu.memory_space<vmem>>, vector<16xf32>,
      %mul3A_375 = arith.mulf %select_n3A_225, %get3A_374 : vector<16xf32>
      %add3A_376 = arith.addf %add3A_370, %mul3A_375 : vector<16xf32>
      %reduce_sum3A_377 = arith.constant true
      %reduce_sum3A_378 = vector.broadcast %reduce_sum3A_377 : i1 to vector<16xi1>
      %reduce_sum3A_379 = tpu.scan <sum>, %add3A_376 masked %reduce_sum3A_378 : vector<16xf32>, vector<16xi1> -> vector<16xf32>
      %reduce_sum3A_380 = vector.extract %reduce_sum3A_379[15] : f32 from vector<16xf32>
      %broadcast_in_dim3A_381 = vector.broadcast %reduce_sum3A_380 : f32 to vector<16xf32>
      %bitcast_convert_type3A_382 = tpu.bitcast %broadcast_in_dim3A_381 : vector<16xf32> -> vector<16xi32>
      %add3A_383 = arith.constant 32767 : i32
      %add3A_384 = vector.broadcast %add3A_383 : i32 to vector<16xi32>
      %add3A_385 = arith.addi %bitcast_convert_type3A_382, %add3A_384 : vector<16xi32>
      %shift_right_logical3A_386 = arith.constant 16 : i32
      %shift_right_logical3A_387 = vector.broadcast %shift_right_logical3A_386 : i32 to vector<16xi32>
      %shift_right_logical3A_388 = arith.shrui %bitcast_convert_type3A_382, %shift_right_logical3A_387 : vector<16xi32>
      %and3A_389 = arith.constant 1 : i32
      %and3A_390 = vector.broadcast %and3A_389 : i32 to vector<16xi32>
      %and3A_391 = arith.andi %shift_right_logical3A_388, %and3A_390 : vector<16xi32>
      %add3A_392 = arith.addi %add3A_385, %and3A_391 : vector<16xi32>
      %and3A_393 = arith.constant -65536 : i32
      %and3A_394 = vector.broadcast %and3A_393 : i32 to vector<16xi32>
      %and3A_395 = arith.andi %add3A_392, %and3A_394 : vector<16xi32>
      %bitcast_convert_type3A_396 = tpu.bitcast %and3A_395 : vector<16xi32> -> vector<16xf32>
      %get3A_397 = arith.constant 4 : i32
      %get3A_398 = arith.index_cast %get3A_397 : i32 to index
      %get3A_399 = arith.constant 0 : index
      %get3A_400 = tpu.vector_load %arg14[%get3A_398, %get3A_399] {strides = array<i32>} : memref<6x64xf32, #tpu.memory_space<vmem>>, vector<16xf32>,
      %mul3A_401 = arith.mulf %select_n3A_207, %get3A_400 : vector<16xf32>
      %get3A_402 = arith.constant 4 : i32
      %get3A_403 = arith.index_cast %get3A_402 : i32 to index
      %get3A_404 = arith.constant 16 : index
      %get3A_405 = tpu.vector_load %arg14[%get3A_403, %get3A_404] {strides = array<i32>} : memref<6x64xf32, #tpu.memory_space<vmem>>, vector<16xf32>,
      %mul3A_406 = arith.mulf %select_n3A_213, %get3A_405 : vector<16xf32>
      %add3A_407 = arith.addf %mul3A_401, %mul3A_406 : vector<16xf32>
      %get3A_408 = arith.constant 4 : i32
      %get3A_409 = arith.index_cast %get3A_408 : i32 to index
      %get3A_410 = arith.constant 32 : index
      %get3A_411 = tpu.vector_load %arg14[%get3A_409, %get3A_410] {strides = array<i32>} : memref<6x64xf32, #tpu.memory_space<vmem>>, vector<16xf32>,
      %mul3A_412 = arith.mulf %select_n3A_219, %get3A_411 : vector<16xf32>
      %add3A_413 = arith.addf %add3A_407, %mul3A_412 : vector<16xf32>
      %get3A_414 = arith.constant 4 : i32
      %get3A_415 = arith.index_cast %get3A_414 : i32 to index
      %get3A_416 = arith.constant 48 : index
      %get3A_417 = tpu.vector_load %arg14[%get3A_415, %get3A_416] {strides = array<i32>} : memref<6x64xf32, #tpu.memory_space<vmem>>, vector<16xf32>,
      %mul3A_418 = arith.mulf %select_n3A_225, %get3A_417 : vector<16xf32>
      %add3A_419 = arith.addf %add3A_413, %mul3A_418 : vector<16xf32>
      %reduce_sum3A_420 = arith.constant true
      %reduce_sum3A_421 = vector.broadcast %reduce_sum3A_420 : i1 to vector<16xi1>
      %reduce_sum3A_422 = tpu.scan <sum>, %add3A_419 masked %reduce_sum3A_421 : vector<16xf32>, vector<16xi1> -> vector<16xf32>
      %reduce_sum3A_423 = vector.extract %reduce_sum3A_422[15] : f32 from vector<16xf32>
      %broadcast_in_dim3A_424 = vector.broadcast %reduce_sum3A_423 : f32 to vector<16xf32>
      %bitcast_convert_type3A_425 = tpu.bitcast %broadcast_in_dim3A_424 : vector<16xf32> -> vector<16xi32>
      %add3A_426 = arith.constant 32767 : i32
      %add3A_427 = vector.broadcast %add3A_426 : i32 to vector<16xi32>
      %add3A_428 = arith.addi %bitcast_convert_type3A_425, %add3A_427 : vector<16xi32>
      %shift_right_logical3A_429 = arith.constant 16 : i32
      %shift_right_logical3A_430 = vector.broadcast %shift_right_logical3A_429 : i32 to vector<16xi32>
      %shift_right_logical3A_431 = arith.shrui %bitcast_convert_type3A_425, %shift_right_logical3A_430 : vector<16xi32>
      %and3A_432 = arith.constant 1 : i32
      %and3A_433 = vector.broadcast %and3A_432 : i32 to vector<16xi32>
      %and3A_434 = arith.andi %shift_right_logical3A_431, %and3A_433 : vector<16xi32>
      %add3A_435 = arith.addi %add3A_428, %and3A_434 : vector<16xi32>
      %and3A_436 = arith.constant -65536 : i32
      %and3A_437 = vector.broadcast %and3A_436 : i32 to vector<16xi32>
      %and3A_438 = arith.andi %add3A_435, %and3A_437 : vector<16xi32>
      %bitcast_convert_type3A_439 = tpu.bitcast %and3A_438 : vector<16xi32> -> vector<16xf32>
      %get3A_440 = arith.constant 5 : i32
      %get3A_441 = arith.index_cast %get3A_440 : i32 to index
      %get3A_442 = arith.constant 0 : index
      %get3A_443 = tpu.vector_load %arg14[%get3A_441, %get3A_442] {strides = array<i32>} : memref<6x64xf32, #tpu.memory_space<vmem>>, vector<16xf32>,
      %mul3A_444 = arith.mulf %select_n3A_207, %get3A_443 : vector<16xf32>
      %get3A_445 = arith.constant 5 : i32
      %get3A_446 = arith.index_cast %get3A_445 : i32 to index
      %get3A_447 = arith.constant 16 : index
      %get3A_448 = tpu.vector_load %arg14[%get3A_446, %get3A_447] {strides = array<i32>} : memref<6x64xf32, #tpu.memory_space<vmem>>, vector<16xf32>,
      %mul3A_449 = arith.mulf %select_n3A_213, %get3A_448 : vector<16xf32>
      %add3A_450 = arith.addf %mul3A_444, %mul3A_449 : vector<16xf32>
      %get3A_451 = arith.constant 5 : i32
      %get3A_452 = arith.index_cast %get3A_451 : i32 to index
      %get3A_453 = arith.constant 32 : index
      %get3A_454 = tpu.vector_load %arg14[%get3A_452, %get3A_453] {strides = array<i32>} : memref<6x64xf32, #tpu.memory_space<vmem>>, vector<16xf32>,
      %mul3A_455 = arith.mulf %select_n3A_219, %get3A_454 : vector<16xf32>
      %add3A_456 = arith.addf %add3A_450, %mul3A_455 : vector<16xf32>
      %get3A_457 = arith.constant 5 : i32
      %get3A_458 = arith.index_cast %get3A_457 : i32 to index
      %get3A_459 = arith.constant 48 : index
      %get3A_460 = tpu.vector_load %arg14[%get3A_458, %get3A_459] {strides = array<i32>} : memref<6x64xf32, #tpu.memory_space<vmem>>, vector<16xf32>,
      %mul3A_461 = arith.mulf %select_n3A_225, %get3A_460 : vector<16xf32>
      %add3A_462 = arith.addf %add3A_456, %mul3A_461 : vector<16xf32>
      %reduce_sum3A_463 = arith.constant true
      %reduce_sum3A_464 = vector.broadcast %reduce_sum3A_463 : i1 to vector<16xi1>
      %reduce_sum3A_465 = tpu.scan <sum>, %add3A_462 masked %reduce_sum3A_464 : vector<16xf32>, vector<16xi1> -> vector<16xf32>
      %reduce_sum3A_466 = vector.extract %reduce_sum3A_465[15] : f32 from vector<16xf32>
      %broadcast_in_dim3A_467 = vector.broadcast %reduce_sum3A_466 : f32 to vector<16xf32>
      %bitcast_convert_type3A_468 = tpu.bitcast %broadcast_in_dim3A_467 : vector<16xf32> -> vector<16xi32>
      %add3A_469 = arith.constant 32767 : i32
      %add3A_470 = vector.broadcast %add3A_469 : i32 to vector<16xi32>
      %add3A_471 = arith.addi %bitcast_convert_type3A_468, %add3A_470 : vector<16xi32>
      %shift_right_logical3A_472 = arith.constant 16 : i32
      %shift_right_logical3A_473 = vector.broadcast %shift_right_logical3A_472 : i32 to vector<16xi32>
      %shift_right_logical3A_474 = arith.shrui %bitcast_convert_type3A_468, %shift_right_logical3A_473 : vector<16xi32>
      %and3A_475 = arith.constant 1 : i32
      %and3A_476 = vector.broadcast %and3A_475 : i32 to vector<16xi32>
      %and3A_477 = arith.andi %shift_right_logical3A_474, %and3A_476 : vector<16xi32>
      %add3A_478 = arith.addi %add3A_471, %and3A_477 : vector<16xi32>
      %and3A_479 = arith.constant -65536 : i32
      %and3A_480 = vector.broadcast %and3A_479 : i32 to vector<16xi32>
      %and3A_481 = arith.andi %add3A_478, %and3A_480 : vector<16xi32>
      %bitcast_convert_type3A_482 = tpu.bitcast %and3A_481 : vector<16xi32> -> vector<16xf32>
      %get3A_483 = arith.constant 0 : i32
      %get3A_484 = arith.index_cast %get3A_483 : i32 to index
      %get3A_485 = arith.constant 0 : index
      %get3A_486 = tpu.vector_load %arg15[%get3A_484, %get3A_485] {strides = array<i32>} : memref<6x64xf32, #tpu.memory_space<vmem>>, vector<16xf32>,
      %mul3A_487 = arith.mulf %bitcast_convert_type3A_267, %get3A_486 : vector<16xf32>
      %get3A_488 = arith.constant 1 : i32
      %get3A_489 = arith.index_cast %get3A_488 : i32 to index
      %get3A_490 = arith.constant 0 : index
      %get3A_491 = tpu.vector_load %arg15[%get3A_489, %get3A_490] {strides = array<i32>} : memref<6x64xf32, #tpu.memory_space<vmem>>, vector<16xf32>,
      %mul3A_492 = arith.mulf %bitcast_convert_type3A_310, %get3A_491 : vector<16xf32>
      %add3A_493 = arith.addf %mul3A_487, %mul3A_492 : vector<16xf32>
      %get3A_494 = arith.constant 2 : i32
      %get3A_495 = arith.index_cast %get3A_494 : i32 to index
      %get3A_496 = arith.constant 0 : index
      %get3A_497 = tpu.vector_load %arg15[%get3A_495, %get3A_496] {strides = array<i32>} : memref<6x64xf32, #tpu.memory_space<vmem>>, vector<16xf32>,
      %mul3A_498 = arith.mulf %bitcast_convert_type3A_353, %get3A_497 : vector<16xf32>
      %add3A_499 = arith.addf %add3A_493, %mul3A_498 : vector<16xf32>
      %get3A_500 = arith.constant 3 : i32
      %get3A_501 = arith.index_cast %get3A_500 : i32 to index
      %get3A_502 = arith.constant 0 : index
      %get3A_503 = tpu.vector_load %arg15[%get3A_501, %get3A_502] {strides = array<i32>} : memref<6x64xf32, #tpu.memory_space<vmem>>, vector<16xf32>,
      %mul3A_504 = arith.mulf %bitcast_convert_type3A_396, %get3A_503 : vector<16xf32>
      %add3A_505 = arith.addf %add3A_499, %mul3A_504 : vector<16xf32>
      %get3A_506 = arith.constant 4 : i32
      %get3A_507 = arith.index_cast %get3A_506 : i32 to index
      %get3A_508 = arith.constant 0 : index
      %get3A_509 = tpu.vector_load %arg15[%get3A_507, %get3A_508] {strides = array<i32>} : memref<6x64xf32, #tpu.memory_space<vmem>>, vector<16xf32>,
      %mul3A_510 = arith.mulf %bitcast_convert_type3A_439, %get3A_509 : vector<16xf32>
      %add3A_511 = arith.addf %add3A_505, %mul3A_510 : vector<16xf32>
      %get3A_512 = arith.constant 5 : i32
      %get3A_513 = arith.index_cast %get3A_512 : i32 to index
      %get3A_514 = arith.constant 0 : index
      %get3A_515 = tpu.vector_load %arg15[%get3A_513, %get3A_514] {strides = array<i32>} : memref<6x64xf32, #tpu.memory_space<vmem>>, vector<16xf32>,
      %mul3A_516 = arith.mulf %bitcast_convert_type3A_482, %get3A_515 : vector<16xf32>
      %add3A_517 = arith.addf %add3A_511, %mul3A_516 : vector<16xf32>
      %get3A_518 = arith.constant 0 : i32
      %get3A_519 = arith.index_cast %get3A_518 : i32 to index
      %get3A_520 = arith.constant 16 : index
      %get3A_521 = tpu.vector_load %arg15[%get3A_519, %get3A_520] {strides = array<i32>} : memref<6x64xf32, #tpu.memory_space<vmem>>, vector<16xf32>,
      %mul3A_522 = arith.mulf %bitcast_convert_type3A_267, %get3A_521 : vector<16xf32>
      %get3A_523 = arith.constant 1 : i32
      %get3A_524 = arith.index_cast %get3A_523 : i32 to index
      %get3A_525 = arith.constant 16 : index
      %get3A_526 = tpu.vector_load %arg15[%get3A_524, %get3A_525] {strides = array<i32>} : memref<6x64xf32, #tpu.memory_space<vmem>>, vector<16xf32>,
      %mul3A_527 = arith.mulf %bitcast_convert_type3A_310, %get3A_526 : vector<16xf32>
      %add3A_528 = arith.addf %mul3A_522, %mul3A_527 : vector<16xf32>
      %get3A_529 = arith.constant 2 : i32
      %get3A_530 = arith.index_cast %get3A_529 : i32 to index
      %get3A_531 = arith.constant 16 : index
      %get3A_532 = tpu.vector_load %arg15[%get3A_530, %get3A_531] {strides = array<i32>} : memref<6x64xf32, #tpu.memory_space<vmem>>, vector<16xf32>,
      %mul3A_533 = arith.mulf %bitcast_convert_type3A_353, %get3A_532 : vector<16xf32>
      %add3A_534 = arith.addf %add3A_528, %mul3A_533 : vector<16xf32>
      %get3A_535 = arith.constant 3 : i32
      %get3A_536 = arith.index_cast %get3A_535 : i32 to index
      %get3A_537 = arith.constant 16 : index
      %get3A_538 = tpu.vector_load %arg15[%get3A_536, %get3A_537] {strides = array<i32>} : memref<6x64xf32, #tpu.memory_space<vmem>>, vector<16xf32>,
      %mul3A_539 = arith.mulf %bitcast_convert_type3A_396, %get3A_538 : vector<16xf32>
      %add3A_540 = arith.addf %add3A_534, %mul3A_539 : vector<16xf32>
      %get3A_541 = arith.constant 4 : i32
      %get3A_542 = arith.index_cast %get3A_541 : i32 to index
      %get3A_543 = arith.constant 16 : index
      %get3A_544 = tpu.vector_load %arg15[%get3A_542, %get3A_543] {strides = array<i32>} : memref<6x64xf32, #tpu.memory_space<vmem>>, vector<16xf32>,
      %mul3A_545 = arith.mulf %bitcast_convert_type3A_439, %get3A_544 : vector<16xf32>
      %add3A_546 = arith.addf %add3A_540, %mul3A_545 : vector<16xf32>
      %get3A_547 = arith.constant 5 : i32
      %get3A_548 = arith.index_cast %get3A_547 : i32 to index
      %get3A_549 = arith.constant 16 : index
      %get3A_550 = tpu.vector_load %arg15[%get3A_548, %get3A_549] {strides = array<i32>} : memref<6x64xf32, #tpu.memory_space<vmem>>, vector<16xf32>,
      %mul3A_551 = arith.mulf %bitcast_convert_type3A_482, %get3A_550 : vector<16xf32>
      %add3A_552 = arith.addf %add3A_546, %mul3A_551 : vector<16xf32>
      %get3A_553 = arith.constant 0 : i32
      %get3A_554 = arith.index_cast %get3A_553 : i32 to index
      %get3A_555 = arith.constant 32 : index
      %get3A_556 = tpu.vector_load %arg15[%get3A_554, %get3A_555] {strides = array<i32>} : memref<6x64xf32, #tpu.memory_space<vmem>>, vector<16xf32>,
      %mul3A_557 = arith.mulf %bitcast_convert_type3A_267, %get3A_556 : vector<16xf32>
      %get3A_558 = arith.constant 1 : i32
      %get3A_559 = arith.index_cast %get3A_558 : i32 to index
      %get3A_560 = arith.constant 32 : index
      %get3A_561 = tpu.vector_load %arg15[%get3A_559, %get3A_560] {strides = array<i32>} : memref<6x64xf32, #tpu.memory_space<vmem>>, vector<16xf32>,
      %mul3A_562 = arith.mulf %bitcast_convert_type3A_310, %get3A_561 : vector<16xf32>
      %add3A_563 = arith.addf %mul3A_557, %mul3A_562 : vector<16xf32>
      %get3A_564 = arith.constant 2 : i32
      %get3A_565 = arith.index_cast %get3A_564 : i32 to index
      %get3A_566 = arith.constant 32 : index
      %get3A_567 = tpu.vector_load %arg15[%get3A_565, %get3A_566] {strides = array<i32>} : memref<6x64xf32, #tpu.memory_space<vmem>>, vector<16xf32>,
      %mul3A_568 = arith.mulf %bitcast_convert_type3A_353, %get3A_567 : vector<16xf32>
      %add3A_569 = arith.addf %add3A_563, %mul3A_568 : vector<16xf32>
      %get3A_570 = arith.constant 3 : i32
      %get3A_571 = arith.index_cast %get3A_570 : i32 to index
      %get3A_572 = arith.constant 32 : index
      %get3A_573 = tpu.vector_load %arg15[%get3A_571, %get3A_572] {strides = array<i32>} : memref<6x64xf32, #tpu.memory_space<vmem>>, vector<16xf32>,
      %mul3A_574 = arith.mulf %bitcast_convert_type3A_396, %get3A_573 : vector<16xf32>
      %add3A_575 = arith.addf %add3A_569, %mul3A_574 : vector<16xf32>
      %get3A_576 = arith.constant 4 : i32
      %get3A_577 = arith.index_cast %get3A_576 : i32 to index
      %get3A_578 = arith.constant 32 : index
      %get3A_579 = tpu.vector_load %arg15[%get3A_577, %get3A_578] {strides = array<i32>} : memref<6x64xf32, #tpu.memory_space<vmem>>, vector<16xf32>,
      %mul3A_580 = arith.mulf %bitcast_convert_type3A_439, %get3A_579 : vector<16xf32>
      %add3A_581 = arith.addf %add3A_575, %mul3A_580 : vector<16xf32>
      %get3A_582 = arith.constant 5 : i32
      %get3A_583 = arith.index_cast %get3A_582 : i32 to index
      %get3A_584 = arith.constant 32 : index
      %get3A_585 = tpu.vector_load %arg15[%get3A_583, %get3A_584] {strides = array<i32>} : memref<6x64xf32, #tpu.memory_space<vmem>>, vector<16xf32>,
      %mul3A_586 = arith.mulf %bitcast_convert_type3A_482, %get3A_585 : vector<16xf32>
      %add3A_587 = arith.addf %add3A_581, %mul3A_586 : vector<16xf32>
      %get3A_588 = arith.constant 0 : i32
      %get3A_589 = arith.index_cast %get3A_588 : i32 to index
      %get3A_590 = arith.constant 48 : index
      %get3A_591 = tpu.vector_load %arg15[%get3A_589, %get3A_590] {strides = array<i32>} : memref<6x64xf32, #tpu.memory_space<vmem>>, vector<16xf32>,
      %mul3A_592 = arith.mulf %bitcast_convert_type3A_267, %get3A_591 : vector<16xf32>
      %get3A_593 = arith.constant 1 : i32
      %get3A_594 = arith.index_cast %get3A_593 : i32 to index
      %get3A_595 = arith.constant 48 : index
      %get3A_596 = tpu.vector_load %arg15[%get3A_594, %get3A_595] {strides = array<i32>} : memref<6x64xf32, #tpu.memory_space<vmem>>, vector<16xf32>,
      %mul3A_597 = arith.mulf %bitcast_convert_type3A_310, %get3A_596 : vector<16xf32>
      %add3A_598 = arith.addf %mul3A_592, %mul3A_597 : vector<16xf32>
      %get3A_599 = arith.constant 2 : i32
      %get3A_600 = arith.index_cast %get3A_599 : i32 to index
      %get3A_601 = arith.constant 48 : index
      %get3A_602 = tpu.vector_load %arg15[%get3A_600, %get3A_601] {strides = array<i32>} : memref<6x64xf32, #tpu.memory_space<vmem>>, vector<16xf32>,
      %mul3A_603 = arith.mulf %bitcast_convert_type3A_353, %get3A_602 : vector<16xf32>
      %add3A_604 = arith.addf %add3A_598, %mul3A_603 : vector<16xf32>
      %get3A_605 = arith.constant 3 : i32
      %get3A_606 = arith.index_cast %get3A_605 : i32 to index
      %get3A_607 = arith.constant 48 : index
      %get3A_608 = tpu.vector_load %arg15[%get3A_606, %get3A_607] {strides = array<i32>} : memref<6x64xf32, #tpu.memory_space<vmem>>, vector<16xf32>,
      %mul3A_609 = arith.mulf %bitcast_convert_type3A_396, %get3A_608 : vector<16xf32>
      %add3A_610 = arith.addf %add3A_604, %mul3A_609 : vector<16xf32>
      %get3A_611 = arith.constant 4 : i32
      %get3A_612 = arith.index_cast %get3A_611 : i32 to index
      %get3A_613 = arith.constant 48 : index
      %get3A_614 = tpu.vector_load %arg15[%get3A_612, %get3A_613] {strides = array<i32>} : memref<6x64xf32, #tpu.memory_space<vmem>>, vector<16xf32>,
      %mul3A_615 = arith.mulf %bitcast_convert_type3A_439, %get3A_614 : vector<16xf32>
      %add3A_616 = arith.addf %add3A_610, %mul3A_615 : vector<16xf32>
      %get3A_617 = arith.constant 5 : i32
      %get3A_618 = arith.index_cast %get3A_617 : i32 to index
      %get3A_619 = arith.constant 48 : index
      %get3A_620 = tpu.vector_load %arg15[%get3A_618, %get3A_619] {strides = array<i32>} : memref<6x64xf32, #tpu.memory_space<vmem>>, vector<16xf32>,
      %mul3A_621 = arith.mulf %bitcast_convert_type3A_482, %get3A_620 : vector<16xf32>
      %add3A_622 = arith.addf %add3A_616, %mul3A_621 : vector<16xf32>
      %mul3A_623 = arith.mulf %select_n3A_183, %add3A_517 : vector<16xf32>
      %mul3A_624 = arith.constant 0.408248305 : f32
      %mul3A_625 = vector.broadcast %mul3A_624 : f32 to vector<16xf32>
      %mul3A_626 = arith.mulf %mul3A_625, %mul3A_623 : vector<16xf32>
      %add3A_627 = arith.addf %select_n3A_183, %mul3A_626 : vector<16xf32>
      %mul3A_628 = arith.mulf %select_n3A_189, %add3A_552 : vector<16xf32>
      %mul3A_629 = arith.constant 0.408248305 : f32
      %mul3A_630 = vector.broadcast %mul3A_629 : f32 to vector<16xf32>
      %mul3A_631 = arith.mulf %mul3A_630, %mul3A_628 : vector<16xf32>
      %add3A_632 = arith.addf %select_n3A_189, %mul3A_631 : vector<16xf32>
      %mul3A_633 = arith.mulf %select_n3A_195, %add3A_587 : vector<16xf32>
      %mul3A_634 = arith.constant 0.408248305 : f32
      %mul3A_635 = vector.broadcast %mul3A_634 : f32 to vector<16xf32>
      %mul3A_636 = arith.mulf %mul3A_635, %mul3A_633 : vector<16xf32>
      %add3A_637 = arith.addf %select_n3A_195, %mul3A_636 : vector<16xf32>
      %mul3A_638 = arith.mulf %select_n3A_201, %add3A_622 : vector<16xf32>
      %mul3A_639 = arith.constant 0.408248305 : f32
      %mul3A_640 = vector.broadcast %mul3A_639 : f32 to vector<16xf32>
      %mul3A_641 = arith.mulf %mul3A_640, %mul3A_638 : vector<16xf32>
      %add3A_642 = arith.addf %select_n3A_201, %mul3A_641 : vector<16xf32>
      %bitcast_convert_type3A_643 = tpu.bitcast %add3A_627 : vector<16xf32> -> vector<16xi32>
      %add3A_644 = arith.constant 32767 : i32
      %add3A_645 = vector.broadcast %add3A_644 : i32 to vector<16xi32>
      %add3A_646 = arith.addi %bitcast_convert_type3A_643, %add3A_645 : vector<16xi32>
      %shift_right_logical3A_647 = arith.constant 16 : i32
      %shift_right_logical3A_648 = vector.broadcast %shift_right_logical3A_647 : i32 to vector<16xi32>
      %shift_right_logical3A_649 = arith.shrui %bitcast_convert_type3A_643, %shift_right_logical3A_648 : vector<16xi32>
      %and3A_650 = arith.constant 1 : i32
      %and3A_651 = vector.broadcast %and3A_650 : i32 to vector<16xi32>
      %and3A_652 = arith.andi %shift_right_logical3A_649, %and3A_651 : vector<16xi32>
      %add3A_653 = arith.addi %add3A_646, %and3A_652 : vector<16xi32>
      %and3A_654 = arith.constant -65536 : i32
      %and3A_655 = vector.broadcast %and3A_654 : i32 to vector<16xi32>
      %and3A_656 = arith.andi %add3A_653, %and3A_655 : vector<16xi32>
      %bitcast_convert_type3A_657 = tpu.bitcast %and3A_656 : vector<16xi32> -> vector<16xf32>
      %get3A_658 = arith.constant 0 : index
      %get3A_659 = tpu.vector_load %arg16[%get3A_658] {strides = array<i32>} : memref<64xf32, #tpu.memory_space<vmem>>, vector<16xf32>,
      %mul3A_660 = arith.mulf %bitcast_convert_type3A_657, %get3A_659 : vector<16xf32>
      %bitcast_convert_type3A_661 = tpu.bitcast %add3A_632 : vector<16xf32> -> vector<16xi32>
      %add3A_662 = arith.constant 32767 : i32
      %add3A_663 = vector.broadcast %add3A_662 : i32 to vector<16xi32>
      %add3A_664 = arith.addi %bitcast_convert_type3A_661, %add3A_663 : vector<16xi32>
      %shift_right_logical3A_665 = arith.constant 16 : i32
      %shift_right_logical3A_666 = vector.broadcast %shift_right_logical3A_665 : i32 to vector<16xi32>
      %shift_right_logical3A_667 = arith.shrui %bitcast_convert_type3A_661, %shift_right_logical3A_666 : vector<16xi32>
      %and3A_668 = arith.constant 1 : i32
      %and3A_669 = vector.broadcast %and3A_668 : i32 to vector<16xi32>
      %and3A_670 = arith.andi %shift_right_logical3A_667, %and3A_669 : vector<16xi32>
      %add3A_671 = arith.addi %add3A_664, %and3A_670 : vector<16xi32>
      %and3A_672 = arith.constant -65536 : i32
      %and3A_673 = vector.broadcast %and3A_672 : i32 to vector<16xi32>
      %and3A_674 = arith.andi %add3A_671, %and3A_673 : vector<16xi32>
      %bitcast_convert_type3A_675 = tpu.bitcast %and3A_674 : vector<16xi32> -> vector<16xf32>
      %get3A_676 = arith.constant 16 : index
      %get3A_677 = tpu.vector_load %arg16[%get3A_676] {strides = array<i32>} : memref<64xf32, #tpu.memory_space<vmem>>, vector<16xf32>,
      %mul3A_678 = arith.mulf %bitcast_convert_type3A_675, %get3A_677 : vector<16xf32>
      %add3A_679 = arith.addf %mul3A_660, %mul3A_678 : vector<16xf32>
      %bitcast_convert_type3A_680 = tpu.bitcast %add3A_637 : vector<16xf32> -> vector<16xi32>
      %add3A_681 = arith.constant 32767 : i32
      %add3A_682 = vector.broadcast %add3A_681 : i32 to vector<16xi32>
      %add3A_683 = arith.addi %bitcast_convert_type3A_680, %add3A_682 : vector<16xi32>
      %shift_right_logical3A_684 = arith.constant 16 : i32
      %shift_right_logical3A_685 = vector.broadcast %shift_right_logical3A_684 : i32 to vector<16xi32>
      %shift_right_logical3A_686 = arith.shrui %bitcast_convert_type3A_680, %shift_right_logical3A_685 : vector<16xi32>
      %and3A_687 = arith.constant 1 : i32
      %and3A_688 = vector.broadcast %and3A_687 : i32 to vector<16xi32>
      %and3A_689 = arith.andi %shift_right_logical3A_686, %and3A_688 : vector<16xi32>
      %add3A_690 = arith.addi %add3A_683, %and3A_689 : vector<16xi32>
      %and3A_691 = arith.constant -65536 : i32
      %and3A_692 = vector.broadcast %and3A_691 : i32 to vector<16xi32>
      %and3A_693 = arith.andi %add3A_690, %and3A_692 : vector<16xi32>
      %bitcast_convert_type3A_694 = tpu.bitcast %and3A_693 : vector<16xi32> -> vector<16xf32>
      %get3A_695 = arith.constant 32 : index
      %get3A_696 = tpu.vector_load %arg16[%get3A_695] {strides = array<i32>} : memref<64xf32, #tpu.memory_space<vmem>>, vector<16xf32>,
      %mul3A_697 = arith.mulf %bitcast_convert_type3A_694, %get3A_696 : vector<16xf32>
      %add3A_698 = arith.addf %add3A_679, %mul3A_697 : vector<16xf32>
      %bitcast_convert_type3A_699 = tpu.bitcast %add3A_642 : vector<16xf32> -> vector<16xi32>
      %add3A_700 = arith.constant 32767 : i32
      %add3A_701 = vector.broadcast %add3A_700 : i32 to vector<16xi32>
      %add3A_702 = arith.addi %bitcast_convert_type3A_699, %add3A_701 : vector<16xi32>
      %shift_right_logical3A_703 = arith.constant 16 : i32
      %shift_right_logical3A_704 = vector.broadcast %shift_right_logical3A_703 : i32 to vector<16xi32>
      %shift_right_logical3A_705 = arith.shrui %bitcast_convert_type3A_699, %shift_right_logical3A_704 : vector<16xi32>
      %and3A_706 = arith.constant 1 : i32
      %and3A_707 = vector.broadcast %and3A_706 : i32 to vector<16xi32>
      %and3A_708 = arith.andi %shift_right_logical3A_705, %and3A_707 : vector<16xi32>
      %add3A_709 = arith.addi %add3A_702, %and3A_708 : vector<16xi32>
      %and3A_710 = arith.constant -65536 : i32
      %and3A_711 = vector.broadcast %and3A_710 : i32 to vector<16xi32>
      %and3A_712 = arith.andi %add3A_709, %and3A_711 : vector<16xi32>
      %bitcast_convert_type3A_713 = tpu.bitcast %and3A_712 : vector<16xi32> -> vector<16xf32>
      %get3A_714 = arith.constant 48 : index
      %get3A_715 = tpu.vector_load %arg16[%get3A_714] {strides = array<i32>} : memref<64xf32, #tpu.memory_space<vmem>>, vector<16xf32>,
      %mul3A_716 = arith.mulf %bitcast_convert_type3A_713, %get3A_715 : vector<16xf32>
      %add3A_717 = arith.addf %add3A_698, %mul3A_716 : vector<16xf32>
      %reduce_sum3A_718 = arith.constant true
      %reduce_sum3A_719 = vector.broadcast %reduce_sum3A_718 : i1 to vector<16xi1>
      %reduce_sum3A_720 = tpu.scan <sum>, %add3A_717 masked %reduce_sum3A_719 : vector<16xf32>, vector<16xi1> -> vector<16xf32>
      %reduce_sum3A_721 = vector.extract %reduce_sum3A_720[15] : f32 from vector<16xf32>
      %broadcast_in_dim3A_722 = vector.broadcast %reduce_sum3A_721 : f32 to vector<16xf32>
      %get3A_723 = arith.constant 0 : index
      %get3A_724 = tpu.vector_load %arg17[%get3A_723] {strides = array<i32>} : memref<16xf32, #tpu.memory_space<vmem>>, vector<16xf32>,
      %add3A_725 = arith.addf %broadcast_in_dim3A_722, %get3A_724 : vector<16xf32>
      %neg3A = arith.constant 0.000000e+00 : f32
      %neg3A_726 = vector.broadcast %neg3A : f32 to vector<16xf32>
      %neg3A_727 = arith.subf %neg3A_726, %add3A_725 : vector<16xf32>
      %exp3A = math.exp %neg3A_727 : vector<16xf32>
      %add3A_728 = arith.constant 1.000000e+00 : f32
      %add3A_729 = vector.broadcast %add3A_728 : f32 to vector<16xf32>
      %add3A_730 = arith.addf %add3A_729, %exp3A : vector<16xf32>
      %div3A = arith.constant 1.000000e+00 : f32
      %div3A_731 = vector.broadcast %div3A : f32 to vector<16xf32>
      %div3A_732 = arith.divf %div3A_731, %add3A_730 : vector<16xf32>
      %mul3A_733 = arith.mulf %div3A_732, %add3A_627 : vector<16xf32>
      %sub3A_734 = arith.constant 1.000000e+00 : f32
      %sub3A_735 = vector.broadcast %sub3A_734 : f32 to vector<16xf32>
      %sub3A_736 = arith.subf %sub3A_735, %div3A_732 : vector<16xf32>
      %mul3A_737 = arith.mulf %sub3A_736, %select_n3A_183 : vector<16xf32>
      %add3A_738 = arith.addf %mul3A_733, %mul3A_737 : vector<16xf32>
      %swap3A_739 = arith.index_cast %scan3A_22 : i32 to index
      %swap3A_740 = arith.constant 0 : index
      %swap3A_741 = tpu.vector_load %arg11[%swap3A_739, %swap3A_740] {strides = array<i32>} : memref<32x64xf32, #tpu.memory_space<vmem>>, vector<16xf32>,
      tpu.vector_store %arg11[%swap3A_739, %swap3A_740], %add3A_738 {strides = array<i32>} : memref<32x64xf32, #tpu.memory_space<vmem>>, vector<16xf32>,
      %mul3A_742 = arith.mulf %div3A_732, %add3A_632 : vector<16xf32>
      %sub3A_743 = arith.constant 1.000000e+00 : f32
      %sub3A_744 = vector.broadcast %sub3A_743 : f32 to vector<16xf32>
      %sub3A_745 = arith.subf %sub3A_744, %div3A_732 : vector<16xf32>
      %mul3A_746 = arith.mulf %sub3A_745, %select_n3A_189 : vector<16xf32>
      %add3A_747 = arith.addf %mul3A_742, %mul3A_746 : vector<16xf32>
      %swap3A_748 = arith.index_cast %scan3A_22 : i32 to index
      %swap3A_749 = arith.constant 16 : index
      %swap3A_750 = tpu.vector_load %arg11[%swap3A_748, %swap3A_749] {strides = array<i32>} : memref<32x64xf32, #tpu.memory_space<vmem>>, vector<16xf32>,
      tpu.vector_store %arg11[%swap3A_748, %swap3A_749], %add3A_747 {strides = array<i32>} : memref<32x64xf32, #tpu.memory_space<vmem>>, vector<16xf32>,
      %mul3A_751 = arith.mulf %div3A_732, %add3A_637 : vector<16xf32>
      %sub3A_752 = arith.constant 1.000000e+00 : f32
      %sub3A_753 = vector.broadcast %sub3A_752 : f32 to vector<16xf32>
      %sub3A_754 = arith.subf %sub3A_753, %div3A_732 : vector<16xf32>
      %mul3A_755 = arith.mulf %sub3A_754, %select_n3A_195 : vector<16xf32>
      %add3A_756 = arith.addf %mul3A_751, %mul3A_755 : vector<16xf32>
      %swap3A_757 = arith.index_cast %scan3A_22 : i32 to index
      %swap3A_758 = arith.constant 32 : index
      %swap3A_759 = tpu.vector_load %arg11[%swap3A_757, %swap3A_758] {strides = array<i32>} : memref<32x64xf32, #tpu.memory_space<vmem>>, vector<16xf32>,
      tpu.vector_store %arg11[%swap3A_757, %swap3A_758], %add3A_756 {strides = array<i32>} : memref<32x64xf32, #tpu.memory_space<vmem>>, vector<16xf32>,
      %mul3A_760 = arith.mulf %div3A_732, %add3A_642 : vector<16xf32>
      %sub3A_761 = arith.constant 1.000000e+00 : f32
      %sub3A_762 = vector.broadcast %sub3A_761 : f32 to vector<16xf32>
      %sub3A_763 = arith.subf %sub3A_762, %div3A_732 : vector<16xf32>
      %mul3A_764 = arith.mulf %sub3A_763, %select_n3A_201 : vector<16xf32>
      %add3A_765 = arith.addf %mul3A_760, %mul3A_764 : vector<16xf32>
      %swap3A_766 = arith.index_cast %scan3A_22 : i32 to index
      %swap3A_767 = arith.constant 48 : index
      %swap3A_768 = tpu.vector_load %arg11[%swap3A_766, %swap3A_767] {strides = array<i32>} : memref<32x64xf32, #tpu.memory_space<vmem>>, vector<16xf32>,
      tpu.vector_store %arg11[%swap3A_766, %swap3A_767], %add3A_765 {strides = array<i32>} : memref<32x64xf32, #tpu.memory_space<vmem>>, vector<16xf32>,
    }
    %scan3A_21 = arith.constant 32 : i32
    "tpu.region"() ({
      %run_scoped3A = tpu.sem_alloc : memref<!tpu.dma_semaphore, #tpu.memory_space<semaphore_mem>>
      %dma_start3A = arith.constant 0 : i32
      %dma_start3A_22 = tpu.memref_slice %arg9[%add3A_16, %dma_start3A] : memref<1024x64xf32, #tpu.memory_space<hbm>> -> memref<32x64xf32, #tpu.memory_space<hbm>>
      %dma_start3A_23 = arith.constant 0 : i32
      %dma_start3A_24 = tpu.memref_slice %arg9[%add3A_16, %dma_start3A_23] : memref<1024x64xf32, #tpu.memory_space<hbm>> -> memref<32x64xf32, #tpu.memory_space<hbm>>
      tpu.enqueue_dma source(%arg11 : memref<32x64xf32, #tpu.memory_space<vmem>>) target(%dma_start3A_24 : memref<32x64xf32, #tpu.memory_space<hbm>>) target_semaphore(%run_scoped3A : memref<!tpu.dma_semaphore, #tpu.memory_space<semaphore_mem>>)
      %dma_wait3A = arith.constant 0 : i32
      %dma_wait3A_25 = tpu.memref_slice %arg9[%add3A_16, %dma_wait3A] : memref<1024x64xf32, #tpu.memory_space<hbm>> -> memref<32x64xf32, #tpu.memory_space<hbm>>
      %dma_wait3A_26 = arith.constant 0 : i32
      %dma_wait3A_27 = tpu.memref_slice %arg9[%add3A_16, %dma_wait3A_26] : memref<1024x64xf32, #tpu.memory_space<hbm>> -> memref<32x64xf32, #tpu.memory_space<hbm>>
      tpu.wait_dma2 semaphore(%run_scoped3A : memref<!tpu.dma_semaphore, #tpu.memory_space<semaphore_mem>>) src(%arg11 : memref<32x64xf32, #tpu.memory_space<vmem>>) dst(%dma_wait3A_27 : memref<32x64xf32, #tpu.memory_space<hbm>>)
      tpu.yield
    }) : () -> ()
    return
  }
}

module attributes {stable_mosaic.version = 14 : i64} {
  func.func @_tc_kernel(%arg0: i32, %arg1: memref<1024x64xf32, #tpu.memory_space<vmem>>, %arg2: memref<64x64xf32, #tpu.memory_space<vmem>>, %arg3: memref<64x1xf32, #tpu.memory_space<vmem>>, %arg4: memref<64x6xf32, #tpu.memory_space<vmem>>, %arg5: memref<6x64xf32, #tpu.memory_space<vmem>>, %arg6: memref<64x1xf32, #tpu.memory_space<vmem>>, %arg7: memref<1x1xf32, #tpu.memory_space<vmem>>, %arg8: memref<1024x64xf32, #tpu.memory_space<vmem>>) attributes {dimension_semantics = [#tpu.dimension_semantics<parallel>], iteration_bounds = array<i64: 15>, scalar_prefetch = 0 : i64, scratch_operands = 0 : i64, tpu.core_type = #tpu.core_type<tc>, window_params = [{transform_indices = @transform_0, window_bounds = array<i64: 1024, 64>}, {pipeline_mode = #tpu.pipeline_mode<synchronous>, transform_indices = @transform_1, window_bounds = array<i64: 64, 64>}, {pipeline_mode = #tpu.pipeline_mode<synchronous>, transform_indices = @transform_2, window_bounds = array<i64: 64, 1>}, {pipeline_mode = #tpu.pipeline_mode<synchronous>, transform_indices = @transform_3, window_bounds = array<i64: 64, 6>}, {pipeline_mode = #tpu.pipeline_mode<synchronous>, transform_indices = @transform_4, window_bounds = array<i64: 6, 64>}, {pipeline_mode = #tpu.pipeline_mode<synchronous>, transform_indices = @transform_5, window_bounds = array<i64: 64, 1>}, {pipeline_mode = #tpu.pipeline_mode<synchronous>, transform_indices = @transform_6, window_bounds = array<i64: 1, 1>}, {transform_indices = @transform_7, window_bounds = array<i64: 1024, 64>}]} {
    %get3A = arith.constant 0 : index
    %get3A_0 = arith.constant 0 : index
    %get3A_1 = vector.load %arg1[%get3A, %get3A_0] : memref<1024x64xf32, #tpu.memory_space<vmem>>, vector<1024x64xf32>
    %transpose3A = tpu.transpose %get3A_1, [1, 0] : vector<1024x64xf32> -> vector<64x1024xf32>
    %get3A_2 = arith.constant 0 : index
    %get3A_3 = arith.constant 0 : index
    %get3A_4 = vector.load %arg2[%get3A_2, %get3A_3] : memref<64x64xf32, #tpu.memory_space<vmem>>, vector<64x64xf32>
    %dot_general3A = arith.constant dense<0.000000e+00> : vector<64x1024xf32>
    %dot_general3A_5 = tpu.matmul %get3A_4, %get3A_1, %dot_general3A {dimension_numbers = #tpu.dot_dimension_numbers<[1], [1], [0], [0], [0, 0, 1, 0], [], []>, transpose_lhs_hint = false} : vector<64x64xf32>, vector<1024x64xf32>, vector<64x1024xf32> -> vector<64x1024xf32>
    %get3A_6 = arith.constant 0 : index
    %get3A_7 = arith.constant 0 : index
    %get3A_8 = vector.load %arg3[%get3A_6, %get3A_7] : memref<64x1xf32, #tpu.memory_space<vmem>>, vector<64x1xf32>
    %add3A = vector.broadcast %get3A_8 : vector<64x1xf32> to vector<64x1024xf32>
    %add3A_9 = arith.addf %dot_general3A_5, %add3A : vector<64x1024xf32>
    %iota3A = tpu.iota {dimensions = array<i32: 0>} : vector<64x1024xi32>
    %bitcast_convert_type3A = tpu.bitcast %add3A_9 : vector<64x1024xf32> -> vector<64x1024xi32>
    %ge3A = arith.constant 0 : i32
    %ge3A_10 = vector.broadcast %ge3A : i32 to vector<64x1024xi32>
    %ge3A_11 = arith.cmpi sge, %bitcast_convert_type3A, %ge3A_10 : vector<64x1024xi32>
    %sub3A = arith.constant -2147483648 : i32
    %sub3A_12 = vector.broadcast %sub3A : i32 to vector<64x1024xi32>
    %sub3A_13 = arith.subi %sub3A_12, %bitcast_convert_type3A : vector<64x1024xi32>
    %select_n3A = arith.select %ge3A_11, %bitcast_convert_type3A, %sub3A_13 : vector<64x1024xi1>, vector<64x1024xi32>
    %gt3A = arith.constant 0 : i32
    %gt3A_14 = vector.broadcast %gt3A : i32 to vector<64x1024xi32>
    %gt3A_15 = arith.cmpi sgt, %iota3A, %gt3A_14 : vector<64x1024xi32>
    %sub3A_16 = arith.constant 1 : i32
    %sub3A_17 = vector.broadcast %sub3A_16 : i32 to vector<64x1024xi32>
    %sub3A_18 = arith.subi %select_n3A, %sub3A_17 : vector<64x1024xi32>
    %select_n3A_19 = arith.select %gt3A_15, %sub3A_18, %select_n3A : vector<64x1024xi1>, vector<64x1024xi32>
    %broadcast_in_dim3A = arith.constant 0 : i32
    %broadcast_in_dim3A_20 = vector.broadcast %broadcast_in_dim3A : i32 to vector<64x1024xi32>
    %slice3A = vector.extract_strided_slice %select_n3A_19 {offsets = [0, 0], sizes = [1, 1024], strides = [1, 1]} : vector<64x1024xi32> to vector<1x1024xi32>
    %gt3A_21 = vector.broadcast %slice3A : vector<1x1024xi32> to vector<64x1024xi32>
    %gt3A_22 = arith.cmpi sgt, %gt3A_21, %select_n3A_19 : vector<64x1024xi32>
    %convert_element_type3A = arith.extui %gt3A_22 : vector<64x1024xi1> to vector<64x1024xi32>
    %add3A_23 = arith.addi %broadcast_in_dim3A_20, %convert_element_type3A : vector<64x1024xi32>
    %eq3A = arith.constant 1 : i32
    %eq3A_24 = vector.broadcast %eq3A : i32 to vector<64x1024xi32>
    %eq3A_25 = arith.cmpi eq, %iota3A, %eq3A_24 : vector<64x1024xi32>
    %convert_element_type3A_26 = arith.extui %eq3A_25 : vector<64x1024xi1> to vector<64x1024xi32>
    %add3A_27 = arith.addi %select_n3A_19, %convert_element_type3A_26 : vector<64x1024xi32>
    %slice3A_28 = vector.extract_strided_slice %add3A_27 {offsets = [1, 0], sizes = [1, 1024], strides = [1, 1]} : vector<64x1024xi32> to vector<1x1024xi32>
    %gt3A_29 = vector.broadcast %slice3A_28 : vector<1x1024xi32> to vector<64x1024xi32>
    %gt3A_30 = arith.cmpi sgt, %gt3A_29, %add3A_27 : vector<64x1024xi32>
    %convert_element_type3A_31 = arith.extui %gt3A_30 : vector<64x1024xi1> to vector<64x1024xi32>
    %add3A_32 = arith.addi %add3A_23, %convert_element_type3A_31 : vector<64x1024xi32>
    %eq3A_33 = arith.constant 2 : i32
    %eq3A_34 = vector.broadcast %eq3A_33 : i32 to vector<64x1024xi32>
    %eq3A_35 = arith.cmpi eq, %iota3A, %eq3A_34 : vector<64x1024xi32>
    %convert_element_type3A_36 = arith.extui %eq3A_35 : vector<64x1024xi1> to vector<64x1024xi32>
    %add3A_37 = arith.addi %add3A_27, %convert_element_type3A_36 : vector<64x1024xi32>
    %slice3A_38 = vector.extract_strided_slice %add3A_37 {offsets = [2, 0], sizes = [1, 1024], strides = [1, 1]} : vector<64x1024xi32> to vector<1x1024xi32>
    %gt3A_39 = vector.broadcast %slice3A_38 : vector<1x1024xi32> to vector<64x1024xi32>
    %gt3A_40 = arith.cmpi sgt, %gt3A_39, %add3A_37 : vector<64x1024xi32>
    %convert_element_type3A_41 = arith.extui %gt3A_40 : vector<64x1024xi1> to vector<64x1024xi32>
    %add3A_42 = arith.addi %add3A_32, %convert_element_type3A_41 : vector<64x1024xi32>
    %eq3A_43 = arith.constant 3 : i32
    %eq3A_44 = vector.broadcast %eq3A_43 : i32 to vector<64x1024xi32>
    %eq3A_45 = arith.cmpi eq, %iota3A, %eq3A_44 : vector<64x1024xi32>
    %convert_element_type3A_46 = arith.extui %eq3A_45 : vector<64x1024xi1> to vector<64x1024xi32>
    %add3A_47 = arith.addi %add3A_37, %convert_element_type3A_46 : vector<64x1024xi32>
    %slice3A_48 = vector.extract_strided_slice %add3A_47 {offsets = [3, 0], sizes = [1, 1024], strides = [1, 1]} : vector<64x1024xi32> to vector<1x1024xi32>
    %gt3A_49 = vector.broadcast %slice3A_48 : vector<1x1024xi32> to vector<64x1024xi32>
    %gt3A_50 = arith.cmpi sgt, %gt3A_49, %add3A_47 : vector<64x1024xi32>
    %convert_element_type3A_51 = arith.extui %gt3A_50 : vector<64x1024xi1> to vector<64x1024xi32>
    %add3A_52 = arith.addi %add3A_42, %convert_element_type3A_51 : vector<64x1024xi32>
    %eq3A_53 = arith.constant 4 : i32
    %eq3A_54 = vector.broadcast %eq3A_53 : i32 to vector<64x1024xi32>
    %eq3A_55 = arith.cmpi eq, %iota3A, %eq3A_54 : vector<64x1024xi32>
    %convert_element_type3A_56 = arith.extui %eq3A_55 : vector<64x1024xi1> to vector<64x1024xi32>
    %add3A_57 = arith.addi %add3A_47, %convert_element_type3A_56 : vector<64x1024xi32>
    %slice3A_58 = vector.extract_strided_slice %add3A_57 {offsets = [4, 0], sizes = [1, 1024], strides = [1, 1]} : vector<64x1024xi32> to vector<1x1024xi32>
    %gt3A_59 = vector.broadcast %slice3A_58 : vector<1x1024xi32> to vector<64x1024xi32>
    %gt3A_60 = arith.cmpi sgt, %gt3A_59, %add3A_57 : vector<64x1024xi32>
    %convert_element_type3A_61 = arith.extui %gt3A_60 : vector<64x1024xi1> to vector<64x1024xi32>
    %add3A_62 = arith.addi %add3A_52, %convert_element_type3A_61 : vector<64x1024xi32>
    %eq3A_63 = arith.constant 5 : i32
    %eq3A_64 = vector.broadcast %eq3A_63 : i32 to vector<64x1024xi32>
    %eq3A_65 = arith.cmpi eq, %iota3A, %eq3A_64 : vector<64x1024xi32>
    %convert_element_type3A_66 = arith.extui %eq3A_65 : vector<64x1024xi1> to vector<64x1024xi32>
    %add3A_67 = arith.addi %add3A_57, %convert_element_type3A_66 : vector<64x1024xi32>
    %slice3A_68 = vector.extract_strided_slice %add3A_67 {offsets = [5, 0], sizes = [1, 1024], strides = [1, 1]} : vector<64x1024xi32> to vector<1x1024xi32>
    %gt3A_69 = vector.broadcast %slice3A_68 : vector<1x1024xi32> to vector<64x1024xi32>
    %gt3A_70 = arith.cmpi sgt, %gt3A_69, %add3A_67 : vector<64x1024xi32>
    %convert_element_type3A_71 = arith.extui %gt3A_70 : vector<64x1024xi1> to vector<64x1024xi32>
    %add3A_72 = arith.addi %add3A_62, %convert_element_type3A_71 : vector<64x1024xi32>
    %eq3A_73 = arith.constant 6 : i32
    %eq3A_74 = vector.broadcast %eq3A_73 : i32 to vector<64x1024xi32>
    %eq3A_75 = arith.cmpi eq, %iota3A, %eq3A_74 : vector<64x1024xi32>
    %convert_element_type3A_76 = arith.extui %eq3A_75 : vector<64x1024xi1> to vector<64x1024xi32>
    %add3A_77 = arith.addi %add3A_67, %convert_element_type3A_76 : vector<64x1024xi32>
    %slice3A_78 = vector.extract_strided_slice %add3A_77 {offsets = [6, 0], sizes = [1, 1024], strides = [1, 1]} : vector<64x1024xi32> to vector<1x1024xi32>
    %gt3A_79 = vector.broadcast %slice3A_78 : vector<1x1024xi32> to vector<64x1024xi32>
    %gt3A_80 = arith.cmpi sgt, %gt3A_79, %add3A_77 : vector<64x1024xi32>
    %convert_element_type3A_81 = arith.extui %gt3A_80 : vector<64x1024xi1> to vector<64x1024xi32>
    %add3A_82 = arith.addi %add3A_72, %convert_element_type3A_81 : vector<64x1024xi32>
    %eq3A_83 = arith.constant 7 : i32
    %eq3A_84 = vector.broadcast %eq3A_83 : i32 to vector<64x1024xi32>
    %eq3A_85 = arith.cmpi eq, %iota3A, %eq3A_84 : vector<64x1024xi32>
    %convert_element_type3A_86 = arith.extui %eq3A_85 : vector<64x1024xi1> to vector<64x1024xi32>
    %add3A_87 = arith.addi %add3A_77, %convert_element_type3A_86 : vector<64x1024xi32>
    %slice3A_88 = vector.extract_strided_slice %add3A_87 {offsets = [7, 0], sizes = [1, 1024], strides = [1, 1]} : vector<64x1024xi32> to vector<1x1024xi32>
    %gt3A_89 = vector.broadcast %slice3A_88 : vector<1x1024xi32> to vector<64x1024xi32>
    %gt3A_90 = arith.cmpi sgt, %gt3A_89, %add3A_87 : vector<64x1024xi32>
    %convert_element_type3A_91 = arith.extui %gt3A_90 : vector<64x1024xi1> to vector<64x1024xi32>
    %add3A_92 = arith.addi %add3A_82, %convert_element_type3A_91 : vector<64x1024xi32>
    %eq3A_93 = arith.constant 8 : i32
    %eq3A_94 = vector.broadcast %eq3A_93 : i32 to vector<64x1024xi32>
    %eq3A_95 = arith.cmpi eq, %iota3A, %eq3A_94 : vector<64x1024xi32>
    %convert_element_type3A_96 = arith.extui %eq3A_95 : vector<64x1024xi1> to vector<64x1024xi32>
    %add3A_97 = arith.addi %add3A_87, %convert_element_type3A_96 : vector<64x1024xi32>
    %slice3A_98 = vector.extract_strided_slice %add3A_97 {offsets = [8, 0], sizes = [1, 1024], strides = [1, 1]} : vector<64x1024xi32> to vector<1x1024xi32>
    %gt3A_99 = vector.broadcast %slice3A_98 : vector<1x1024xi32> to vector<64x1024xi32>
    %gt3A_100 = arith.cmpi sgt, %gt3A_99, %add3A_97 : vector<64x1024xi32>
    %convert_element_type3A_101 = arith.extui %gt3A_100 : vector<64x1024xi1> to vector<64x1024xi32>
    %add3A_102 = arith.addi %add3A_92, %convert_element_type3A_101 : vector<64x1024xi32>
    %eq3A_103 = arith.constant 9 : i32
    %eq3A_104 = vector.broadcast %eq3A_103 : i32 to vector<64x1024xi32>
    %eq3A_105 = arith.cmpi eq, %iota3A, %eq3A_104 : vector<64x1024xi32>
    %convert_element_type3A_106 = arith.extui %eq3A_105 : vector<64x1024xi1> to vector<64x1024xi32>
    %add3A_107 = arith.addi %add3A_97, %convert_element_type3A_106 : vector<64x1024xi32>
    %slice3A_108 = vector.extract_strided_slice %add3A_107 {offsets = [9, 0], sizes = [1, 1024], strides = [1, 1]} : vector<64x1024xi32> to vector<1x1024xi32>
    %gt3A_109 = vector.broadcast %slice3A_108 : vector<1x1024xi32> to vector<64x1024xi32>
    %gt3A_110 = arith.cmpi sgt, %gt3A_109, %add3A_107 : vector<64x1024xi32>
    %convert_element_type3A_111 = arith.extui %gt3A_110 : vector<64x1024xi1> to vector<64x1024xi32>
    %add3A_112 = arith.addi %add3A_102, %convert_element_type3A_111 : vector<64x1024xi32>
    %eq3A_113 = arith.constant 10 : i32
    %eq3A_114 = vector.broadcast %eq3A_113 : i32 to vector<64x1024xi32>
    %eq3A_115 = arith.cmpi eq, %iota3A, %eq3A_114 : vector<64x1024xi32>
    %convert_element_type3A_116 = arith.extui %eq3A_115 : vector<64x1024xi1> to vector<64x1024xi32>
    %add3A_117 = arith.addi %add3A_107, %convert_element_type3A_116 : vector<64x1024xi32>
    %slice3A_118 = vector.extract_strided_slice %add3A_117 {offsets = [10, 0], sizes = [1, 1024], strides = [1, 1]} : vector<64x1024xi32> to vector<1x1024xi32>
    %gt3A_119 = vector.broadcast %slice3A_118 : vector<1x1024xi32> to vector<64x1024xi32>
    %gt3A_120 = arith.cmpi sgt, %gt3A_119, %add3A_117 : vector<64x1024xi32>
    %convert_element_type3A_121 = arith.extui %gt3A_120 : vector<64x1024xi1> to vector<64x1024xi32>
    %add3A_122 = arith.addi %add3A_112, %convert_element_type3A_121 : vector<64x1024xi32>
    %eq3A_123 = arith.constant 11 : i32
    %eq3A_124 = vector.broadcast %eq3A_123 : i32 to vector<64x1024xi32>
    %eq3A_125 = arith.cmpi eq, %iota3A, %eq3A_124 : vector<64x1024xi32>
    %convert_element_type3A_126 = arith.extui %eq3A_125 : vector<64x1024xi1> to vector<64x1024xi32>
    %add3A_127 = arith.addi %add3A_117, %convert_element_type3A_126 : vector<64x1024xi32>
    %slice3A_128 = vector.extract_strided_slice %add3A_127 {offsets = [11, 0], sizes = [1, 1024], strides = [1, 1]} : vector<64x1024xi32> to vector<1x1024xi32>
    %gt3A_129 = vector.broadcast %slice3A_128 : vector<1x1024xi32> to vector<64x1024xi32>
    %gt3A_130 = arith.cmpi sgt, %gt3A_129, %add3A_127 : vector<64x1024xi32>
    %convert_element_type3A_131 = arith.extui %gt3A_130 : vector<64x1024xi1> to vector<64x1024xi32>
    %add3A_132 = arith.addi %add3A_122, %convert_element_type3A_131 : vector<64x1024xi32>
    %eq3A_133 = arith.constant 12 : i32
    %eq3A_134 = vector.broadcast %eq3A_133 : i32 to vector<64x1024xi32>
    %eq3A_135 = arith.cmpi eq, %iota3A, %eq3A_134 : vector<64x1024xi32>
    %convert_element_type3A_136 = arith.extui %eq3A_135 : vector<64x1024xi1> to vector<64x1024xi32>
    %add3A_137 = arith.addi %add3A_127, %convert_element_type3A_136 : vector<64x1024xi32>
    %slice3A_138 = vector.extract_strided_slice %add3A_137 {offsets = [12, 0], sizes = [1, 1024], strides = [1, 1]} : vector<64x1024xi32> to vector<1x1024xi32>
    %gt3A_139 = vector.broadcast %slice3A_138 : vector<1x1024xi32> to vector<64x1024xi32>
    %gt3A_140 = arith.cmpi sgt, %gt3A_139, %add3A_137 : vector<64x1024xi32>
    %convert_element_type3A_141 = arith.extui %gt3A_140 : vector<64x1024xi1> to vector<64x1024xi32>
    %add3A_142 = arith.addi %add3A_132, %convert_element_type3A_141 : vector<64x1024xi32>
    %eq3A_143 = arith.constant 13 : i32
    %eq3A_144 = vector.broadcast %eq3A_143 : i32 to vector<64x1024xi32>
    %eq3A_145 = arith.cmpi eq, %iota3A, %eq3A_144 : vector<64x1024xi32>
    %convert_element_type3A_146 = arith.extui %eq3A_145 : vector<64x1024xi1> to vector<64x1024xi32>
    %add3A_147 = arith.addi %add3A_137, %convert_element_type3A_146 : vector<64x1024xi32>
    %slice3A_148 = vector.extract_strided_slice %add3A_147 {offsets = [13, 0], sizes = [1, 1024], strides = [1, 1]} : vector<64x1024xi32> to vector<1x1024xi32>
    %gt3A_149 = vector.broadcast %slice3A_148 : vector<1x1024xi32> to vector<64x1024xi32>
    %gt3A_150 = arith.cmpi sgt, %gt3A_149, %add3A_147 : vector<64x1024xi32>
    %convert_element_type3A_151 = arith.extui %gt3A_150 : vector<64x1024xi1> to vector<64x1024xi32>
    %add3A_152 = arith.addi %add3A_142, %convert_element_type3A_151 : vector<64x1024xi32>
    %eq3A_153 = arith.constant 14 : i32
    %eq3A_154 = vector.broadcast %eq3A_153 : i32 to vector<64x1024xi32>
    %eq3A_155 = arith.cmpi eq, %iota3A, %eq3A_154 : vector<64x1024xi32>
    %convert_element_type3A_156 = arith.extui %eq3A_155 : vector<64x1024xi1> to vector<64x1024xi32>
    %add3A_157 = arith.addi %add3A_147, %convert_element_type3A_156 : vector<64x1024xi32>
    %slice3A_158 = vector.extract_strided_slice %add3A_157 {offsets = [14, 0], sizes = [1, 1024], strides = [1, 1]} : vector<64x1024xi32> to vector<1x1024xi32>
    %gt3A_159 = vector.broadcast %slice3A_158 : vector<1x1024xi32> to vector<64x1024xi32>
    %gt3A_160 = arith.cmpi sgt, %gt3A_159, %add3A_157 : vector<64x1024xi32>
    %convert_element_type3A_161 = arith.extui %gt3A_160 : vector<64x1024xi1> to vector<64x1024xi32>
    %add3A_162 = arith.addi %add3A_152, %convert_element_type3A_161 : vector<64x1024xi32>
    %eq3A_163 = arith.constant 15 : i32
    %eq3A_164 = vector.broadcast %eq3A_163 : i32 to vector<64x1024xi32>
    %eq3A_165 = arith.cmpi eq, %iota3A, %eq3A_164 : vector<64x1024xi32>
    %convert_element_type3A_166 = arith.extui %eq3A_165 : vector<64x1024xi1> to vector<64x1024xi32>
    %add3A_167 = arith.addi %add3A_157, %convert_element_type3A_166 : vector<64x1024xi32>
    %slice3A_168 = vector.extract_strided_slice %add3A_167 {offsets = [15, 0], sizes = [1, 1024], strides = [1, 1]} : vector<64x1024xi32> to vector<1x1024xi32>
    %gt3A_169 = vector.broadcast %slice3A_168 : vector<1x1024xi32> to vector<64x1024xi32>
    %gt3A_170 = arith.cmpi sgt, %gt3A_169, %add3A_167 : vector<64x1024xi32>
    %convert_element_type3A_171 = arith.extui %gt3A_170 : vector<64x1024xi1> to vector<64x1024xi32>
    %add3A_172 = arith.addi %add3A_162, %convert_element_type3A_171 : vector<64x1024xi32>
    %eq3A_173 = arith.constant 16 : i32
    %eq3A_174 = vector.broadcast %eq3A_173 : i32 to vector<64x1024xi32>
    %eq3A_175 = arith.cmpi eq, %iota3A, %eq3A_174 : vector<64x1024xi32>
    %convert_element_type3A_176 = arith.extui %eq3A_175 : vector<64x1024xi1> to vector<64x1024xi32>
    %add3A_177 = arith.addi %add3A_167, %convert_element_type3A_176 : vector<64x1024xi32>
    %slice3A_178 = vector.extract_strided_slice %add3A_177 {offsets = [16, 0], sizes = [1, 1024], strides = [1, 1]} : vector<64x1024xi32> to vector<1x1024xi32>
    %gt3A_179 = vector.broadcast %slice3A_178 : vector<1x1024xi32> to vector<64x1024xi32>
    %gt3A_180 = arith.cmpi sgt, %gt3A_179, %add3A_177 : vector<64x1024xi32>
    %convert_element_type3A_181 = arith.extui %gt3A_180 : vector<64x1024xi1> to vector<64x1024xi32>
    %add3A_182 = arith.addi %add3A_172, %convert_element_type3A_181 : vector<64x1024xi32>
    %eq3A_183 = arith.constant 17 : i32
    %eq3A_184 = vector.broadcast %eq3A_183 : i32 to vector<64x1024xi32>
    %eq3A_185 = arith.cmpi eq, %iota3A, %eq3A_184 : vector<64x1024xi32>
    %convert_element_type3A_186 = arith.extui %eq3A_185 : vector<64x1024xi1> to vector<64x1024xi32>
    %add3A_187 = arith.addi %add3A_177, %convert_element_type3A_186 : vector<64x1024xi32>
    %slice3A_188 = vector.extract_strided_slice %add3A_187 {offsets = [17, 0], sizes = [1, 1024], strides = [1, 1]} : vector<64x1024xi32> to vector<1x1024xi32>
    %gt3A_189 = vector.broadcast %slice3A_188 : vector<1x1024xi32> to vector<64x1024xi32>
    %gt3A_190 = arith.cmpi sgt, %gt3A_189, %add3A_187 : vector<64x1024xi32>
    %convert_element_type3A_191 = arith.extui %gt3A_190 : vector<64x1024xi1> to vector<64x1024xi32>
    %add3A_192 = arith.addi %add3A_182, %convert_element_type3A_191 : vector<64x1024xi32>
    %eq3A_193 = arith.constant 18 : i32
    %eq3A_194 = vector.broadcast %eq3A_193 : i32 to vector<64x1024xi32>
    %eq3A_195 = arith.cmpi eq, %iota3A, %eq3A_194 : vector<64x1024xi32>
    %convert_element_type3A_196 = arith.extui %eq3A_195 : vector<64x1024xi1> to vector<64x1024xi32>
    %add3A_197 = arith.addi %add3A_187, %convert_element_type3A_196 : vector<64x1024xi32>
    %slice3A_198 = vector.extract_strided_slice %add3A_197 {offsets = [18, 0], sizes = [1, 1024], strides = [1, 1]} : vector<64x1024xi32> to vector<1x1024xi32>
    %gt3A_199 = vector.broadcast %slice3A_198 : vector<1x1024xi32> to vector<64x1024xi32>
    %gt3A_200 = arith.cmpi sgt, %gt3A_199, %add3A_197 : vector<64x1024xi32>
    %convert_element_type3A_201 = arith.extui %gt3A_200 : vector<64x1024xi1> to vector<64x1024xi32>
    %add3A_202 = arith.addi %add3A_192, %convert_element_type3A_201 : vector<64x1024xi32>
    %eq3A_203 = arith.constant 19 : i32
    %eq3A_204 = vector.broadcast %eq3A_203 : i32 to vector<64x1024xi32>
    %eq3A_205 = arith.cmpi eq, %iota3A, %eq3A_204 : vector<64x1024xi32>
    %convert_element_type3A_206 = arith.extui %eq3A_205 : vector<64x1024xi1> to vector<64x1024xi32>
    %add3A_207 = arith.addi %add3A_197, %convert_element_type3A_206 : vector<64x1024xi32>
    %slice3A_208 = vector.extract_strided_slice %add3A_207 {offsets = [19, 0], sizes = [1, 1024], strides = [1, 1]} : vector<64x1024xi32> to vector<1x1024xi32>
    %gt3A_209 = vector.broadcast %slice3A_208 : vector<1x1024xi32> to vector<64x1024xi32>
    %gt3A_210 = arith.cmpi sgt, %gt3A_209, %add3A_207 : vector<64x1024xi32>
    %convert_element_type3A_211 = arith.extui %gt3A_210 : vector<64x1024xi1> to vector<64x1024xi32>
    %add3A_212 = arith.addi %add3A_202, %convert_element_type3A_211 : vector<64x1024xi32>
    %eq3A_213 = arith.constant 20 : i32
    %eq3A_214 = vector.broadcast %eq3A_213 : i32 to vector<64x1024xi32>
    %eq3A_215 = arith.cmpi eq, %iota3A, %eq3A_214 : vector<64x1024xi32>
    %convert_element_type3A_216 = arith.extui %eq3A_215 : vector<64x1024xi1> to vector<64x1024xi32>
    %add3A_217 = arith.addi %add3A_207, %convert_element_type3A_216 : vector<64x1024xi32>
    %slice3A_218 = vector.extract_strided_slice %add3A_217 {offsets = [20, 0], sizes = [1, 1024], strides = [1, 1]} : vector<64x1024xi32> to vector<1x1024xi32>
    %gt3A_219 = vector.broadcast %slice3A_218 : vector<1x1024xi32> to vector<64x1024xi32>
    %gt3A_220 = arith.cmpi sgt, %gt3A_219, %add3A_217 : vector<64x1024xi32>
    %convert_element_type3A_221 = arith.extui %gt3A_220 : vector<64x1024xi1> to vector<64x1024xi32>
    %add3A_222 = arith.addi %add3A_212, %convert_element_type3A_221 : vector<64x1024xi32>
    %eq3A_223 = arith.constant 21 : i32
    %eq3A_224 = vector.broadcast %eq3A_223 : i32 to vector<64x1024xi32>
    %eq3A_225 = arith.cmpi eq, %iota3A, %eq3A_224 : vector<64x1024xi32>
    %convert_element_type3A_226 = arith.extui %eq3A_225 : vector<64x1024xi1> to vector<64x1024xi32>
    %add3A_227 = arith.addi %add3A_217, %convert_element_type3A_226 : vector<64x1024xi32>
    %slice3A_228 = vector.extract_strided_slice %add3A_227 {offsets = [21, 0], sizes = [1, 1024], strides = [1, 1]} : vector<64x1024xi32> to vector<1x1024xi32>
    %gt3A_229 = vector.broadcast %slice3A_228 : vector<1x1024xi32> to vector<64x1024xi32>
    %gt3A_230 = arith.cmpi sgt, %gt3A_229, %add3A_227 : vector<64x1024xi32>
    %convert_element_type3A_231 = arith.extui %gt3A_230 : vector<64x1024xi1> to vector<64x1024xi32>
    %add3A_232 = arith.addi %add3A_222, %convert_element_type3A_231 : vector<64x1024xi32>
    %eq3A_233 = arith.constant 22 : i32
    %eq3A_234 = vector.broadcast %eq3A_233 : i32 to vector<64x1024xi32>
    %eq3A_235 = arith.cmpi eq, %iota3A, %eq3A_234 : vector<64x1024xi32>
    %convert_element_type3A_236 = arith.extui %eq3A_235 : vector<64x1024xi1> to vector<64x1024xi32>
    %add3A_237 = arith.addi %add3A_227, %convert_element_type3A_236 : vector<64x1024xi32>
    %slice3A_238 = vector.extract_strided_slice %add3A_237 {offsets = [22, 0], sizes = [1, 1024], strides = [1, 1]} : vector<64x1024xi32> to vector<1x1024xi32>
    %gt3A_239 = vector.broadcast %slice3A_238 : vector<1x1024xi32> to vector<64x1024xi32>
    %gt3A_240 = arith.cmpi sgt, %gt3A_239, %add3A_237 : vector<64x1024xi32>
    %convert_element_type3A_241 = arith.extui %gt3A_240 : vector<64x1024xi1> to vector<64x1024xi32>
    %add3A_242 = arith.addi %add3A_232, %convert_element_type3A_241 : vector<64x1024xi32>
    %eq3A_243 = arith.constant 23 : i32
    %eq3A_244 = vector.broadcast %eq3A_243 : i32 to vector<64x1024xi32>
    %eq3A_245 = arith.cmpi eq, %iota3A, %eq3A_244 : vector<64x1024xi32>
    %convert_element_type3A_246 = arith.extui %eq3A_245 : vector<64x1024xi1> to vector<64x1024xi32>
    %add3A_247 = arith.addi %add3A_237, %convert_element_type3A_246 : vector<64x1024xi32>
    %slice3A_248 = vector.extract_strided_slice %add3A_247 {offsets = [23, 0], sizes = [1, 1024], strides = [1, 1]} : vector<64x1024xi32> to vector<1x1024xi32>
    %gt3A_249 = vector.broadcast %slice3A_248 : vector<1x1024xi32> to vector<64x1024xi32>
    %gt3A_250 = arith.cmpi sgt, %gt3A_249, %add3A_247 : vector<64x1024xi32>
    %convert_element_type3A_251 = arith.extui %gt3A_250 : vector<64x1024xi1> to vector<64x1024xi32>
    %add3A_252 = arith.addi %add3A_242, %convert_element_type3A_251 : vector<64x1024xi32>
    %eq3A_253 = arith.constant 24 : i32
    %eq3A_254 = vector.broadcast %eq3A_253 : i32 to vector<64x1024xi32>
    %eq3A_255 = arith.cmpi eq, %iota3A, %eq3A_254 : vector<64x1024xi32>
    %convert_element_type3A_256 = arith.extui %eq3A_255 : vector<64x1024xi1> to vector<64x1024xi32>
    %add3A_257 = arith.addi %add3A_247, %convert_element_type3A_256 : vector<64x1024xi32>
    %slice3A_258 = vector.extract_strided_slice %add3A_257 {offsets = [24, 0], sizes = [1, 1024], strides = [1, 1]} : vector<64x1024xi32> to vector<1x1024xi32>
    %gt3A_259 = vector.broadcast %slice3A_258 : vector<1x1024xi32> to vector<64x1024xi32>
    %gt3A_260 = arith.cmpi sgt, %gt3A_259, %add3A_257 : vector<64x1024xi32>
    %convert_element_type3A_261 = arith.extui %gt3A_260 : vector<64x1024xi1> to vector<64x1024xi32>
    %add3A_262 = arith.addi %add3A_252, %convert_element_type3A_261 : vector<64x1024xi32>
    %eq3A_263 = arith.constant 25 : i32
    %eq3A_264 = vector.broadcast %eq3A_263 : i32 to vector<64x1024xi32>
    %eq3A_265 = arith.cmpi eq, %iota3A, %eq3A_264 : vector<64x1024xi32>
    %convert_element_type3A_266 = arith.extui %eq3A_265 : vector<64x1024xi1> to vector<64x1024xi32>
    %add3A_267 = arith.addi %add3A_257, %convert_element_type3A_266 : vector<64x1024xi32>
    %slice3A_268 = vector.extract_strided_slice %add3A_267 {offsets = [25, 0], sizes = [1, 1024], strides = [1, 1]} : vector<64x1024xi32> to vector<1x1024xi32>
    %gt3A_269 = vector.broadcast %slice3A_268 : vector<1x1024xi32> to vector<64x1024xi32>
    %gt3A_270 = arith.cmpi sgt, %gt3A_269, %add3A_267 : vector<64x1024xi32>
    %convert_element_type3A_271 = arith.extui %gt3A_270 : vector<64x1024xi1> to vector<64x1024xi32>
    %add3A_272 = arith.addi %add3A_262, %convert_element_type3A_271 : vector<64x1024xi32>
    %eq3A_273 = arith.constant 26 : i32
    %eq3A_274 = vector.broadcast %eq3A_273 : i32 to vector<64x1024xi32>
    %eq3A_275 = arith.cmpi eq, %iota3A, %eq3A_274 : vector<64x1024xi32>
    %convert_element_type3A_276 = arith.extui %eq3A_275 : vector<64x1024xi1> to vector<64x1024xi32>
    %add3A_277 = arith.addi %add3A_267, %convert_element_type3A_276 : vector<64x1024xi32>
    %slice3A_278 = vector.extract_strided_slice %add3A_277 {offsets = [26, 0], sizes = [1, 1024], strides = [1, 1]} : vector<64x1024xi32> to vector<1x1024xi32>
    %gt3A_279 = vector.broadcast %slice3A_278 : vector<1x1024xi32> to vector<64x1024xi32>
    %gt3A_280 = arith.cmpi sgt, %gt3A_279, %add3A_277 : vector<64x1024xi32>
    %convert_element_type3A_281 = arith.extui %gt3A_280 : vector<64x1024xi1> to vector<64x1024xi32>
    %add3A_282 = arith.addi %add3A_272, %convert_element_type3A_281 : vector<64x1024xi32>
    %eq3A_283 = arith.constant 27 : i32
    %eq3A_284 = vector.broadcast %eq3A_283 : i32 to vector<64x1024xi32>
    %eq3A_285 = arith.cmpi eq, %iota3A, %eq3A_284 : vector<64x1024xi32>
    %convert_element_type3A_286 = arith.extui %eq3A_285 : vector<64x1024xi1> to vector<64x1024xi32>
    %add3A_287 = arith.addi %add3A_277, %convert_element_type3A_286 : vector<64x1024xi32>
    %slice3A_288 = vector.extract_strided_slice %add3A_287 {offsets = [27, 0], sizes = [1, 1024], strides = [1, 1]} : vector<64x1024xi32> to vector<1x1024xi32>
    %gt3A_289 = vector.broadcast %slice3A_288 : vector<1x1024xi32> to vector<64x1024xi32>
    %gt3A_290 = arith.cmpi sgt, %gt3A_289, %add3A_287 : vector<64x1024xi32>
    %convert_element_type3A_291 = arith.extui %gt3A_290 : vector<64x1024xi1> to vector<64x1024xi32>
    %add3A_292 = arith.addi %add3A_282, %convert_element_type3A_291 : vector<64x1024xi32>
    %eq3A_293 = arith.constant 28 : i32
    %eq3A_294 = vector.broadcast %eq3A_293 : i32 to vector<64x1024xi32>
    %eq3A_295 = arith.cmpi eq, %iota3A, %eq3A_294 : vector<64x1024xi32>
    %convert_element_type3A_296 = arith.extui %eq3A_295 : vector<64x1024xi1> to vector<64x1024xi32>
    %add3A_297 = arith.addi %add3A_287, %convert_element_type3A_296 : vector<64x1024xi32>
    %slice3A_298 = vector.extract_strided_slice %add3A_297 {offsets = [28, 0], sizes = [1, 1024], strides = [1, 1]} : vector<64x1024xi32> to vector<1x1024xi32>
    %gt3A_299 = vector.broadcast %slice3A_298 : vector<1x1024xi32> to vector<64x1024xi32>
    %gt3A_300 = arith.cmpi sgt, %gt3A_299, %add3A_297 : vector<64x1024xi32>
    %convert_element_type3A_301 = arith.extui %gt3A_300 : vector<64x1024xi1> to vector<64x1024xi32>
    %add3A_302 = arith.addi %add3A_292, %convert_element_type3A_301 : vector<64x1024xi32>
    %eq3A_303 = arith.constant 29 : i32
    %eq3A_304 = vector.broadcast %eq3A_303 : i32 to vector<64x1024xi32>
    %eq3A_305 = arith.cmpi eq, %iota3A, %eq3A_304 : vector<64x1024xi32>
    %convert_element_type3A_306 = arith.extui %eq3A_305 : vector<64x1024xi1> to vector<64x1024xi32>
    %add3A_307 = arith.addi %add3A_297, %convert_element_type3A_306 : vector<64x1024xi32>
    %slice3A_308 = vector.extract_strided_slice %add3A_307 {offsets = [29, 0], sizes = [1, 1024], strides = [1, 1]} : vector<64x1024xi32> to vector<1x1024xi32>
    %gt3A_309 = vector.broadcast %slice3A_308 : vector<1x1024xi32> to vector<64x1024xi32>
    %gt3A_310 = arith.cmpi sgt, %gt3A_309, %add3A_307 : vector<64x1024xi32>
    %convert_element_type3A_311 = arith.extui %gt3A_310 : vector<64x1024xi1> to vector<64x1024xi32>
    %add3A_312 = arith.addi %add3A_302, %convert_element_type3A_311 : vector<64x1024xi32>
    %eq3A_313 = arith.constant 30 : i32
    %eq3A_314 = vector.broadcast %eq3A_313 : i32 to vector<64x1024xi32>
    %eq3A_315 = arith.cmpi eq, %iota3A, %eq3A_314 : vector<64x1024xi32>
    %convert_element_type3A_316 = arith.extui %eq3A_315 : vector<64x1024xi1> to vector<64x1024xi32>
    %add3A_317 = arith.addi %add3A_307, %convert_element_type3A_316 : vector<64x1024xi32>
    %slice3A_318 = vector.extract_strided_slice %add3A_317 {offsets = [30, 0], sizes = [1, 1024], strides = [1, 1]} : vector<64x1024xi32> to vector<1x1024xi32>
    %gt3A_319 = vector.broadcast %slice3A_318 : vector<1x1024xi32> to vector<64x1024xi32>
    %gt3A_320 = arith.cmpi sgt, %gt3A_319, %add3A_317 : vector<64x1024xi32>
    %convert_element_type3A_321 = arith.extui %gt3A_320 : vector<64x1024xi1> to vector<64x1024xi32>
    %add3A_322 = arith.addi %add3A_312, %convert_element_type3A_321 : vector<64x1024xi32>
    %eq3A_323 = arith.constant 31 : i32
    %eq3A_324 = vector.broadcast %eq3A_323 : i32 to vector<64x1024xi32>
    %eq3A_325 = arith.cmpi eq, %iota3A, %eq3A_324 : vector<64x1024xi32>
    %convert_element_type3A_326 = arith.extui %eq3A_325 : vector<64x1024xi1> to vector<64x1024xi32>
    %add3A_327 = arith.addi %add3A_317, %convert_element_type3A_326 : vector<64x1024xi32>
    %slice3A_328 = vector.extract_strided_slice %add3A_327 {offsets = [31, 0], sizes = [1, 1024], strides = [1, 1]} : vector<64x1024xi32> to vector<1x1024xi32>
    %gt3A_329 = vector.broadcast %slice3A_328 : vector<1x1024xi32> to vector<64x1024xi32>
    %gt3A_330 = arith.cmpi sgt, %gt3A_329, %add3A_327 : vector<64x1024xi32>
    %convert_element_type3A_331 = arith.extui %gt3A_330 : vector<64x1024xi1> to vector<64x1024xi32>
    %add3A_332 = arith.addi %add3A_322, %convert_element_type3A_331 : vector<64x1024xi32>
    %eq3A_333 = arith.constant 32 : i32
    %eq3A_334 = vector.broadcast %eq3A_333 : i32 to vector<64x1024xi32>
    %eq3A_335 = arith.cmpi eq, %iota3A, %eq3A_334 : vector<64x1024xi32>
    %convert_element_type3A_336 = arith.extui %eq3A_335 : vector<64x1024xi1> to vector<64x1024xi32>
    %add3A_337 = arith.addi %add3A_327, %convert_element_type3A_336 : vector<64x1024xi32>
    %slice3A_338 = vector.extract_strided_slice %add3A_337 {offsets = [32, 0], sizes = [1, 1024], strides = [1, 1]} : vector<64x1024xi32> to vector<1x1024xi32>
    %gt3A_339 = vector.broadcast %slice3A_338 : vector<1x1024xi32> to vector<64x1024xi32>
    %gt3A_340 = arith.cmpi sgt, %gt3A_339, %add3A_337 : vector<64x1024xi32>
    %convert_element_type3A_341 = arith.extui %gt3A_340 : vector<64x1024xi1> to vector<64x1024xi32>
    %add3A_342 = arith.addi %add3A_332, %convert_element_type3A_341 : vector<64x1024xi32>
    %eq3A_343 = arith.constant 33 : i32
    %eq3A_344 = vector.broadcast %eq3A_343 : i32 to vector<64x1024xi32>
    %eq3A_345 = arith.cmpi eq, %iota3A, %eq3A_344 : vector<64x1024xi32>
    %convert_element_type3A_346 = arith.extui %eq3A_345 : vector<64x1024xi1> to vector<64x1024xi32>
    %add3A_347 = arith.addi %add3A_337, %convert_element_type3A_346 : vector<64x1024xi32>
    %slice3A_348 = vector.extract_strided_slice %add3A_347 {offsets = [33, 0], sizes = [1, 1024], strides = [1, 1]} : vector<64x1024xi32> to vector<1x1024xi32>
    %gt3A_349 = vector.broadcast %slice3A_348 : vector<1x1024xi32> to vector<64x1024xi32>
    %gt3A_350 = arith.cmpi sgt, %gt3A_349, %add3A_347 : vector<64x1024xi32>
    %convert_element_type3A_351 = arith.extui %gt3A_350 : vector<64x1024xi1> to vector<64x1024xi32>
    %add3A_352 = arith.addi %add3A_342, %convert_element_type3A_351 : vector<64x1024xi32>
    %eq3A_353 = arith.constant 34 : i32
    %eq3A_354 = vector.broadcast %eq3A_353 : i32 to vector<64x1024xi32>
    %eq3A_355 = arith.cmpi eq, %iota3A, %eq3A_354 : vector<64x1024xi32>
    %convert_element_type3A_356 = arith.extui %eq3A_355 : vector<64x1024xi1> to vector<64x1024xi32>
    %add3A_357 = arith.addi %add3A_347, %convert_element_type3A_356 : vector<64x1024xi32>
    %slice3A_358 = vector.extract_strided_slice %add3A_357 {offsets = [34, 0], sizes = [1, 1024], strides = [1, 1]} : vector<64x1024xi32> to vector<1x1024xi32>
    %gt3A_359 = vector.broadcast %slice3A_358 : vector<1x1024xi32> to vector<64x1024xi32>
    %gt3A_360 = arith.cmpi sgt, %gt3A_359, %add3A_357 : vector<64x1024xi32>
    %convert_element_type3A_361 = arith.extui %gt3A_360 : vector<64x1024xi1> to vector<64x1024xi32>
    %add3A_362 = arith.addi %add3A_352, %convert_element_type3A_361 : vector<64x1024xi32>
    %eq3A_363 = arith.constant 35 : i32
    %eq3A_364 = vector.broadcast %eq3A_363 : i32 to vector<64x1024xi32>
    %eq3A_365 = arith.cmpi eq, %iota3A, %eq3A_364 : vector<64x1024xi32>
    %convert_element_type3A_366 = arith.extui %eq3A_365 : vector<64x1024xi1> to vector<64x1024xi32>
    %add3A_367 = arith.addi %add3A_357, %convert_element_type3A_366 : vector<64x1024xi32>
    %slice3A_368 = vector.extract_strided_slice %add3A_367 {offsets = [35, 0], sizes = [1, 1024], strides = [1, 1]} : vector<64x1024xi32> to vector<1x1024xi32>
    %gt3A_369 = vector.broadcast %slice3A_368 : vector<1x1024xi32> to vector<64x1024xi32>
    %gt3A_370 = arith.cmpi sgt, %gt3A_369, %add3A_367 : vector<64x1024xi32>
    %convert_element_type3A_371 = arith.extui %gt3A_370 : vector<64x1024xi1> to vector<64x1024xi32>
    %add3A_372 = arith.addi %add3A_362, %convert_element_type3A_371 : vector<64x1024xi32>
    %eq3A_373 = arith.constant 36 : i32
    %eq3A_374 = vector.broadcast %eq3A_373 : i32 to vector<64x1024xi32>
    %eq3A_375 = arith.cmpi eq, %iota3A, %eq3A_374 : vector<64x1024xi32>
    %convert_element_type3A_376 = arith.extui %eq3A_375 : vector<64x1024xi1> to vector<64x1024xi32>
    %add3A_377 = arith.addi %add3A_367, %convert_element_type3A_376 : vector<64x1024xi32>
    %slice3A_378 = vector.extract_strided_slice %add3A_377 {offsets = [36, 0], sizes = [1, 1024], strides = [1, 1]} : vector<64x1024xi32> to vector<1x1024xi32>
    %gt3A_379 = vector.broadcast %slice3A_378 : vector<1x1024xi32> to vector<64x1024xi32>
    %gt3A_380 = arith.cmpi sgt, %gt3A_379, %add3A_377 : vector<64x1024xi32>
    %convert_element_type3A_381 = arith.extui %gt3A_380 : vector<64x1024xi1> to vector<64x1024xi32>
    %add3A_382 = arith.addi %add3A_372, %convert_element_type3A_381 : vector<64x1024xi32>
    %eq3A_383 = arith.constant 37 : i32
    %eq3A_384 = vector.broadcast %eq3A_383 : i32 to vector<64x1024xi32>
    %eq3A_385 = arith.cmpi eq, %iota3A, %eq3A_384 : vector<64x1024xi32>
    %convert_element_type3A_386 = arith.extui %eq3A_385 : vector<64x1024xi1> to vector<64x1024xi32>
    %add3A_387 = arith.addi %add3A_377, %convert_element_type3A_386 : vector<64x1024xi32>
    %slice3A_388 = vector.extract_strided_slice %add3A_387 {offsets = [37, 0], sizes = [1, 1024], strides = [1, 1]} : vector<64x1024xi32> to vector<1x1024xi32>
    %gt3A_389 = vector.broadcast %slice3A_388 : vector<1x1024xi32> to vector<64x1024xi32>
    %gt3A_390 = arith.cmpi sgt, %gt3A_389, %add3A_387 : vector<64x1024xi32>
    %convert_element_type3A_391 = arith.extui %gt3A_390 : vector<64x1024xi1> to vector<64x1024xi32>
    %add3A_392 = arith.addi %add3A_382, %convert_element_type3A_391 : vector<64x1024xi32>
    %eq3A_393 = arith.constant 38 : i32
    %eq3A_394 = vector.broadcast %eq3A_393 : i32 to vector<64x1024xi32>
    %eq3A_395 = arith.cmpi eq, %iota3A, %eq3A_394 : vector<64x1024xi32>
    %convert_element_type3A_396 = arith.extui %eq3A_395 : vector<64x1024xi1> to vector<64x1024xi32>
    %add3A_397 = arith.addi %add3A_387, %convert_element_type3A_396 : vector<64x1024xi32>
    %slice3A_398 = vector.extract_strided_slice %add3A_397 {offsets = [38, 0], sizes = [1, 1024], strides = [1, 1]} : vector<64x1024xi32> to vector<1x1024xi32>
    %gt3A_399 = vector.broadcast %slice3A_398 : vector<1x1024xi32> to vector<64x1024xi32>
    %gt3A_400 = arith.cmpi sgt, %gt3A_399, %add3A_397 : vector<64x1024xi32>
    %convert_element_type3A_401 = arith.extui %gt3A_400 : vector<64x1024xi1> to vector<64x1024xi32>
    %add3A_402 = arith.addi %add3A_392, %convert_element_type3A_401 : vector<64x1024xi32>
    %eq3A_403 = arith.constant 39 : i32
    %eq3A_404 = vector.broadcast %eq3A_403 : i32 to vector<64x1024xi32>
    %eq3A_405 = arith.cmpi eq, %iota3A, %eq3A_404 : vector<64x1024xi32>
    %convert_element_type3A_406 = arith.extui %eq3A_405 : vector<64x1024xi1> to vector<64x1024xi32>
    %add3A_407 = arith.addi %add3A_397, %convert_element_type3A_406 : vector<64x1024xi32>
    %slice3A_408 = vector.extract_strided_slice %add3A_407 {offsets = [39, 0], sizes = [1, 1024], strides = [1, 1]} : vector<64x1024xi32> to vector<1x1024xi32>
    %gt3A_409 = vector.broadcast %slice3A_408 : vector<1x1024xi32> to vector<64x1024xi32>
    %gt3A_410 = arith.cmpi sgt, %gt3A_409, %add3A_407 : vector<64x1024xi32>
    %convert_element_type3A_411 = arith.extui %gt3A_410 : vector<64x1024xi1> to vector<64x1024xi32>
    %add3A_412 = arith.addi %add3A_402, %convert_element_type3A_411 : vector<64x1024xi32>
    %eq3A_413 = arith.constant 40 : i32
    %eq3A_414 = vector.broadcast %eq3A_413 : i32 to vector<64x1024xi32>
    %eq3A_415 = arith.cmpi eq, %iota3A, %eq3A_414 : vector<64x1024xi32>
    %convert_element_type3A_416 = arith.extui %eq3A_415 : vector<64x1024xi1> to vector<64x1024xi32>
    %add3A_417 = arith.addi %add3A_407, %convert_element_type3A_416 : vector<64x1024xi32>
    %slice3A_418 = vector.extract_strided_slice %add3A_417 {offsets = [40, 0], sizes = [1, 1024], strides = [1, 1]} : vector<64x1024xi32> to vector<1x1024xi32>
    %gt3A_419 = vector.broadcast %slice3A_418 : vector<1x1024xi32> to vector<64x1024xi32>
    %gt3A_420 = arith.cmpi sgt, %gt3A_419, %add3A_417 : vector<64x1024xi32>
    %convert_element_type3A_421 = arith.extui %gt3A_420 : vector<64x1024xi1> to vector<64x1024xi32>
    %add3A_422 = arith.addi %add3A_412, %convert_element_type3A_421 : vector<64x1024xi32>
    %eq3A_423 = arith.constant 41 : i32
    %eq3A_424 = vector.broadcast %eq3A_423 : i32 to vector<64x1024xi32>
    %eq3A_425 = arith.cmpi eq, %iota3A, %eq3A_424 : vector<64x1024xi32>
    %convert_element_type3A_426 = arith.extui %eq3A_425 : vector<64x1024xi1> to vector<64x1024xi32>
    %add3A_427 = arith.addi %add3A_417, %convert_element_type3A_426 : vector<64x1024xi32>
    %slice3A_428 = vector.extract_strided_slice %add3A_427 {offsets = [41, 0], sizes = [1, 1024], strides = [1, 1]} : vector<64x1024xi32> to vector<1x1024xi32>
    %gt3A_429 = vector.broadcast %slice3A_428 : vector<1x1024xi32> to vector<64x1024xi32>
    %gt3A_430 = arith.cmpi sgt, %gt3A_429, %add3A_427 : vector<64x1024xi32>
    %convert_element_type3A_431 = arith.extui %gt3A_430 : vector<64x1024xi1> to vector<64x1024xi32>
    %add3A_432 = arith.addi %add3A_422, %convert_element_type3A_431 : vector<64x1024xi32>
    %eq3A_433 = arith.constant 42 : i32
    %eq3A_434 = vector.broadcast %eq3A_433 : i32 to vector<64x1024xi32>
    %eq3A_435 = arith.cmpi eq, %iota3A, %eq3A_434 : vector<64x1024xi32>
    %convert_element_type3A_436 = arith.extui %eq3A_435 : vector<64x1024xi1> to vector<64x1024xi32>
    %add3A_437 = arith.addi %add3A_427, %convert_element_type3A_436 : vector<64x1024xi32>
    %slice3A_438 = vector.extract_strided_slice %add3A_437 {offsets = [42, 0], sizes = [1, 1024], strides = [1, 1]} : vector<64x1024xi32> to vector<1x1024xi32>
    %gt3A_439 = vector.broadcast %slice3A_438 : vector<1x1024xi32> to vector<64x1024xi32>
    %gt3A_440 = arith.cmpi sgt, %gt3A_439, %add3A_437 : vector<64x1024xi32>
    %convert_element_type3A_441 = arith.extui %gt3A_440 : vector<64x1024xi1> to vector<64x1024xi32>
    %add3A_442 = arith.addi %add3A_432, %convert_element_type3A_441 : vector<64x1024xi32>
    %eq3A_443 = arith.constant 43 : i32
    %eq3A_444 = vector.broadcast %eq3A_443 : i32 to vector<64x1024xi32>
    %eq3A_445 = arith.cmpi eq, %iota3A, %eq3A_444 : vector<64x1024xi32>
    %convert_element_type3A_446 = arith.extui %eq3A_445 : vector<64x1024xi1> to vector<64x1024xi32>
    %add3A_447 = arith.addi %add3A_437, %convert_element_type3A_446 : vector<64x1024xi32>
    %slice3A_448 = vector.extract_strided_slice %add3A_447 {offsets = [43, 0], sizes = [1, 1024], strides = [1, 1]} : vector<64x1024xi32> to vector<1x1024xi32>
    %gt3A_449 = vector.broadcast %slice3A_448 : vector<1x1024xi32> to vector<64x1024xi32>
    %gt3A_450 = arith.cmpi sgt, %gt3A_449, %add3A_447 : vector<64x1024xi32>
    %convert_element_type3A_451 = arith.extui %gt3A_450 : vector<64x1024xi1> to vector<64x1024xi32>
    %add3A_452 = arith.addi %add3A_442, %convert_element_type3A_451 : vector<64x1024xi32>
    %eq3A_453 = arith.constant 44 : i32
    %eq3A_454 = vector.broadcast %eq3A_453 : i32 to vector<64x1024xi32>
    %eq3A_455 = arith.cmpi eq, %iota3A, %eq3A_454 : vector<64x1024xi32>
    %convert_element_type3A_456 = arith.extui %eq3A_455 : vector<64x1024xi1> to vector<64x1024xi32>
    %add3A_457 = arith.addi %add3A_447, %convert_element_type3A_456 : vector<64x1024xi32>
    %slice3A_458 = vector.extract_strided_slice %add3A_457 {offsets = [44, 0], sizes = [1, 1024], strides = [1, 1]} : vector<64x1024xi32> to vector<1x1024xi32>
    %gt3A_459 = vector.broadcast %slice3A_458 : vector<1x1024xi32> to vector<64x1024xi32>
    %gt3A_460 = arith.cmpi sgt, %gt3A_459, %add3A_457 : vector<64x1024xi32>
    %convert_element_type3A_461 = arith.extui %gt3A_460 : vector<64x1024xi1> to vector<64x1024xi32>
    %add3A_462 = arith.addi %add3A_452, %convert_element_type3A_461 : vector<64x1024xi32>
    %eq3A_463 = arith.constant 45 : i32
    %eq3A_464 = vector.broadcast %eq3A_463 : i32 to vector<64x1024xi32>
    %eq3A_465 = arith.cmpi eq, %iota3A, %eq3A_464 : vector<64x1024xi32>
    %convert_element_type3A_466 = arith.extui %eq3A_465 : vector<64x1024xi1> to vector<64x1024xi32>
    %add3A_467 = arith.addi %add3A_457, %convert_element_type3A_466 : vector<64x1024xi32>
    %slice3A_468 = vector.extract_strided_slice %add3A_467 {offsets = [45, 0], sizes = [1, 1024], strides = [1, 1]} : vector<64x1024xi32> to vector<1x1024xi32>
    %gt3A_469 = vector.broadcast %slice3A_468 : vector<1x1024xi32> to vector<64x1024xi32>
    %gt3A_470 = arith.cmpi sgt, %gt3A_469, %add3A_467 : vector<64x1024xi32>
    %convert_element_type3A_471 = arith.extui %gt3A_470 : vector<64x1024xi1> to vector<64x1024xi32>
    %add3A_472 = arith.addi %add3A_462, %convert_element_type3A_471 : vector<64x1024xi32>
    %eq3A_473 = arith.constant 46 : i32
    %eq3A_474 = vector.broadcast %eq3A_473 : i32 to vector<64x1024xi32>
    %eq3A_475 = arith.cmpi eq, %iota3A, %eq3A_474 : vector<64x1024xi32>
    %convert_element_type3A_476 = arith.extui %eq3A_475 : vector<64x1024xi1> to vector<64x1024xi32>
    %add3A_477 = arith.addi %add3A_467, %convert_element_type3A_476 : vector<64x1024xi32>
    %slice3A_478 = vector.extract_strided_slice %add3A_477 {offsets = [46, 0], sizes = [1, 1024], strides = [1, 1]} : vector<64x1024xi32> to vector<1x1024xi32>
    %gt3A_479 = vector.broadcast %slice3A_478 : vector<1x1024xi32> to vector<64x1024xi32>
    %gt3A_480 = arith.cmpi sgt, %gt3A_479, %add3A_477 : vector<64x1024xi32>
    %convert_element_type3A_481 = arith.extui %gt3A_480 : vector<64x1024xi1> to vector<64x1024xi32>
    %add3A_482 = arith.addi %add3A_472, %convert_element_type3A_481 : vector<64x1024xi32>
    %eq3A_483 = arith.constant 47 : i32
    %eq3A_484 = vector.broadcast %eq3A_483 : i32 to vector<64x1024xi32>
    %eq3A_485 = arith.cmpi eq, %iota3A, %eq3A_484 : vector<64x1024xi32>
    %convert_element_type3A_486 = arith.extui %eq3A_485 : vector<64x1024xi1> to vector<64x1024xi32>
    %add3A_487 = arith.addi %add3A_477, %convert_element_type3A_486 : vector<64x1024xi32>
    %slice3A_488 = vector.extract_strided_slice %add3A_487 {offsets = [47, 0], sizes = [1, 1024], strides = [1, 1]} : vector<64x1024xi32> to vector<1x1024xi32>
    %gt3A_489 = vector.broadcast %slice3A_488 : vector<1x1024xi32> to vector<64x1024xi32>
    %gt3A_490 = arith.cmpi sgt, %gt3A_489, %add3A_487 : vector<64x1024xi32>
    %convert_element_type3A_491 = arith.extui %gt3A_490 : vector<64x1024xi1> to vector<64x1024xi32>
    %add3A_492 = arith.addi %add3A_482, %convert_element_type3A_491 : vector<64x1024xi32>
    %eq3A_493 = arith.constant 48 : i32
    %eq3A_494 = vector.broadcast %eq3A_493 : i32 to vector<64x1024xi32>
    %eq3A_495 = arith.cmpi eq, %iota3A, %eq3A_494 : vector<64x1024xi32>
    %convert_element_type3A_496 = arith.extui %eq3A_495 : vector<64x1024xi1> to vector<64x1024xi32>
    %add3A_497 = arith.addi %add3A_487, %convert_element_type3A_496 : vector<64x1024xi32>
    %slice3A_498 = vector.extract_strided_slice %add3A_497 {offsets = [48, 0], sizes = [1, 1024], strides = [1, 1]} : vector<64x1024xi32> to vector<1x1024xi32>
    %gt3A_499 = vector.broadcast %slice3A_498 : vector<1x1024xi32> to vector<64x1024xi32>
    %gt3A_500 = arith.cmpi sgt, %gt3A_499, %add3A_497 : vector<64x1024xi32>
    %convert_element_type3A_501 = arith.extui %gt3A_500 : vector<64x1024xi1> to vector<64x1024xi32>
    %add3A_502 = arith.addi %add3A_492, %convert_element_type3A_501 : vector<64x1024xi32>
    %eq3A_503 = arith.constant 49 : i32
    %eq3A_504 = vector.broadcast %eq3A_503 : i32 to vector<64x1024xi32>
    %eq3A_505 = arith.cmpi eq, %iota3A, %eq3A_504 : vector<64x1024xi32>
    %convert_element_type3A_506 = arith.extui %eq3A_505 : vector<64x1024xi1> to vector<64x1024xi32>
    %add3A_507 = arith.addi %add3A_497, %convert_element_type3A_506 : vector<64x1024xi32>
    %slice3A_508 = vector.extract_strided_slice %add3A_507 {offsets = [49, 0], sizes = [1, 1024], strides = [1, 1]} : vector<64x1024xi32> to vector<1x1024xi32>
    %gt3A_509 = vector.broadcast %slice3A_508 : vector<1x1024xi32> to vector<64x1024xi32>
    %gt3A_510 = arith.cmpi sgt, %gt3A_509, %add3A_507 : vector<64x1024xi32>
    %convert_element_type3A_511 = arith.extui %gt3A_510 : vector<64x1024xi1> to vector<64x1024xi32>
    %add3A_512 = arith.addi %add3A_502, %convert_element_type3A_511 : vector<64x1024xi32>
    %eq3A_513 = arith.constant 50 : i32
    %eq3A_514 = vector.broadcast %eq3A_513 : i32 to vector<64x1024xi32>
    %eq3A_515 = arith.cmpi eq, %iota3A, %eq3A_514 : vector<64x1024xi32>
    %convert_element_type3A_516 = arith.extui %eq3A_515 : vector<64x1024xi1> to vector<64x1024xi32>
    %add3A_517 = arith.addi %add3A_507, %convert_element_type3A_516 : vector<64x1024xi32>
    %slice3A_518 = vector.extract_strided_slice %add3A_517 {offsets = [50, 0], sizes = [1, 1024], strides = [1, 1]} : vector<64x1024xi32> to vector<1x1024xi32>
    %gt3A_519 = vector.broadcast %slice3A_518 : vector<1x1024xi32> to vector<64x1024xi32>
    %gt3A_520 = arith.cmpi sgt, %gt3A_519, %add3A_517 : vector<64x1024xi32>
    %convert_element_type3A_521 = arith.extui %gt3A_520 : vector<64x1024xi1> to vector<64x1024xi32>
    %add3A_522 = arith.addi %add3A_512, %convert_element_type3A_521 : vector<64x1024xi32>
    %eq3A_523 = arith.constant 51 : i32
    %eq3A_524 = vector.broadcast %eq3A_523 : i32 to vector<64x1024xi32>
    %eq3A_525 = arith.cmpi eq, %iota3A, %eq3A_524 : vector<64x1024xi32>
    %convert_element_type3A_526 = arith.extui %eq3A_525 : vector<64x1024xi1> to vector<64x1024xi32>
    %add3A_527 = arith.addi %add3A_517, %convert_element_type3A_526 : vector<64x1024xi32>
    %slice3A_528 = vector.extract_strided_slice %add3A_527 {offsets = [51, 0], sizes = [1, 1024], strides = [1, 1]} : vector<64x1024xi32> to vector<1x1024xi32>
    %gt3A_529 = vector.broadcast %slice3A_528 : vector<1x1024xi32> to vector<64x1024xi32>
    %gt3A_530 = arith.cmpi sgt, %gt3A_529, %add3A_527 : vector<64x1024xi32>
    %convert_element_type3A_531 = arith.extui %gt3A_530 : vector<64x1024xi1> to vector<64x1024xi32>
    %add3A_532 = arith.addi %add3A_522, %convert_element_type3A_531 : vector<64x1024xi32>
    %eq3A_533 = arith.constant 52 : i32
    %eq3A_534 = vector.broadcast %eq3A_533 : i32 to vector<64x1024xi32>
    %eq3A_535 = arith.cmpi eq, %iota3A, %eq3A_534 : vector<64x1024xi32>
    %convert_element_type3A_536 = arith.extui %eq3A_535 : vector<64x1024xi1> to vector<64x1024xi32>
    %add3A_537 = arith.addi %add3A_527, %convert_element_type3A_536 : vector<64x1024xi32>
    %slice3A_538 = vector.extract_strided_slice %add3A_537 {offsets = [52, 0], sizes = [1, 1024], strides = [1, 1]} : vector<64x1024xi32> to vector<1x1024xi32>
    %gt3A_539 = vector.broadcast %slice3A_538 : vector<1x1024xi32> to vector<64x1024xi32>
    %gt3A_540 = arith.cmpi sgt, %gt3A_539, %add3A_537 : vector<64x1024xi32>
    %convert_element_type3A_541 = arith.extui %gt3A_540 : vector<64x1024xi1> to vector<64x1024xi32>
    %add3A_542 = arith.addi %add3A_532, %convert_element_type3A_541 : vector<64x1024xi32>
    %eq3A_543 = arith.constant 53 : i32
    %eq3A_544 = vector.broadcast %eq3A_543 : i32 to vector<64x1024xi32>
    %eq3A_545 = arith.cmpi eq, %iota3A, %eq3A_544 : vector<64x1024xi32>
    %convert_element_type3A_546 = arith.extui %eq3A_545 : vector<64x1024xi1> to vector<64x1024xi32>
    %add3A_547 = arith.addi %add3A_537, %convert_element_type3A_546 : vector<64x1024xi32>
    %slice3A_548 = vector.extract_strided_slice %add3A_547 {offsets = [53, 0], sizes = [1, 1024], strides = [1, 1]} : vector<64x1024xi32> to vector<1x1024xi32>
    %gt3A_549 = vector.broadcast %slice3A_548 : vector<1x1024xi32> to vector<64x1024xi32>
    %gt3A_550 = arith.cmpi sgt, %gt3A_549, %add3A_547 : vector<64x1024xi32>
    %convert_element_type3A_551 = arith.extui %gt3A_550 : vector<64x1024xi1> to vector<64x1024xi32>
    %add3A_552 = arith.addi %add3A_542, %convert_element_type3A_551 : vector<64x1024xi32>
    %eq3A_553 = arith.constant 54 : i32
    %eq3A_554 = vector.broadcast %eq3A_553 : i32 to vector<64x1024xi32>
    %eq3A_555 = arith.cmpi eq, %iota3A, %eq3A_554 : vector<64x1024xi32>
    %convert_element_type3A_556 = arith.extui %eq3A_555 : vector<64x1024xi1> to vector<64x1024xi32>
    %add3A_557 = arith.addi %add3A_547, %convert_element_type3A_556 : vector<64x1024xi32>
    %slice3A_558 = vector.extract_strided_slice %add3A_557 {offsets = [54, 0], sizes = [1, 1024], strides = [1, 1]} : vector<64x1024xi32> to vector<1x1024xi32>
    %gt3A_559 = vector.broadcast %slice3A_558 : vector<1x1024xi32> to vector<64x1024xi32>
    %gt3A_560 = arith.cmpi sgt, %gt3A_559, %add3A_557 : vector<64x1024xi32>
    %convert_element_type3A_561 = arith.extui %gt3A_560 : vector<64x1024xi1> to vector<64x1024xi32>
    %add3A_562 = arith.addi %add3A_552, %convert_element_type3A_561 : vector<64x1024xi32>
    %eq3A_563 = arith.constant 55 : i32
    %eq3A_564 = vector.broadcast %eq3A_563 : i32 to vector<64x1024xi32>
    %eq3A_565 = arith.cmpi eq, %iota3A, %eq3A_564 : vector<64x1024xi32>
    %convert_element_type3A_566 = arith.extui %eq3A_565 : vector<64x1024xi1> to vector<64x1024xi32>
    %add3A_567 = arith.addi %add3A_557, %convert_element_type3A_566 : vector<64x1024xi32>
    %slice3A_568 = vector.extract_strided_slice %add3A_567 {offsets = [55, 0], sizes = [1, 1024], strides = [1, 1]} : vector<64x1024xi32> to vector<1x1024xi32>
    %gt3A_569 = vector.broadcast %slice3A_568 : vector<1x1024xi32> to vector<64x1024xi32>
    %gt3A_570 = arith.cmpi sgt, %gt3A_569, %add3A_567 : vector<64x1024xi32>
    %convert_element_type3A_571 = arith.extui %gt3A_570 : vector<64x1024xi1> to vector<64x1024xi32>
    %add3A_572 = arith.addi %add3A_562, %convert_element_type3A_571 : vector<64x1024xi32>
    %eq3A_573 = arith.constant 56 : i32
    %eq3A_574 = vector.broadcast %eq3A_573 : i32 to vector<64x1024xi32>
    %eq3A_575 = arith.cmpi eq, %iota3A, %eq3A_574 : vector<64x1024xi32>
    %convert_element_type3A_576 = arith.extui %eq3A_575 : vector<64x1024xi1> to vector<64x1024xi32>
    %add3A_577 = arith.addi %add3A_567, %convert_element_type3A_576 : vector<64x1024xi32>
    %slice3A_578 = vector.extract_strided_slice %add3A_577 {offsets = [56, 0], sizes = [1, 1024], strides = [1, 1]} : vector<64x1024xi32> to vector<1x1024xi32>
    %gt3A_579 = vector.broadcast %slice3A_578 : vector<1x1024xi32> to vector<64x1024xi32>
    %gt3A_580 = arith.cmpi sgt, %gt3A_579, %add3A_577 : vector<64x1024xi32>
    %convert_element_type3A_581 = arith.extui %gt3A_580 : vector<64x1024xi1> to vector<64x1024xi32>
    %add3A_582 = arith.addi %add3A_572, %convert_element_type3A_581 : vector<64x1024xi32>
    %eq3A_583 = arith.constant 57 : i32
    %eq3A_584 = vector.broadcast %eq3A_583 : i32 to vector<64x1024xi32>
    %eq3A_585 = arith.cmpi eq, %iota3A, %eq3A_584 : vector<64x1024xi32>
    %convert_element_type3A_586 = arith.extui %eq3A_585 : vector<64x1024xi1> to vector<64x1024xi32>
    %add3A_587 = arith.addi %add3A_577, %convert_element_type3A_586 : vector<64x1024xi32>
    %slice3A_588 = vector.extract_strided_slice %add3A_587 {offsets = [57, 0], sizes = [1, 1024], strides = [1, 1]} : vector<64x1024xi32> to vector<1x1024xi32>
    %gt3A_589 = vector.broadcast %slice3A_588 : vector<1x1024xi32> to vector<64x1024xi32>
    %gt3A_590 = arith.cmpi sgt, %gt3A_589, %add3A_587 : vector<64x1024xi32>
    %convert_element_type3A_591 = arith.extui %gt3A_590 : vector<64x1024xi1> to vector<64x1024xi32>
    %add3A_592 = arith.addi %add3A_582, %convert_element_type3A_591 : vector<64x1024xi32>
    %eq3A_593 = arith.constant 58 : i32
    %eq3A_594 = vector.broadcast %eq3A_593 : i32 to vector<64x1024xi32>
    %eq3A_595 = arith.cmpi eq, %iota3A, %eq3A_594 : vector<64x1024xi32>
    %convert_element_type3A_596 = arith.extui %eq3A_595 : vector<64x1024xi1> to vector<64x1024xi32>
    %add3A_597 = arith.addi %add3A_587, %convert_element_type3A_596 : vector<64x1024xi32>
    %slice3A_598 = vector.extract_strided_slice %add3A_597 {offsets = [58, 0], sizes = [1, 1024], strides = [1, 1]} : vector<64x1024xi32> to vector<1x1024xi32>
    %gt3A_599 = vector.broadcast %slice3A_598 : vector<1x1024xi32> to vector<64x1024xi32>
    %gt3A_600 = arith.cmpi sgt, %gt3A_599, %add3A_597 : vector<64x1024xi32>
    %convert_element_type3A_601 = arith.extui %gt3A_600 : vector<64x1024xi1> to vector<64x1024xi32>
    %add3A_602 = arith.addi %add3A_592, %convert_element_type3A_601 : vector<64x1024xi32>
    %eq3A_603 = arith.constant 59 : i32
    %eq3A_604 = vector.broadcast %eq3A_603 : i32 to vector<64x1024xi32>
    %eq3A_605 = arith.cmpi eq, %iota3A, %eq3A_604 : vector<64x1024xi32>
    %convert_element_type3A_606 = arith.extui %eq3A_605 : vector<64x1024xi1> to vector<64x1024xi32>
    %add3A_607 = arith.addi %add3A_597, %convert_element_type3A_606 : vector<64x1024xi32>
    %slice3A_608 = vector.extract_strided_slice %add3A_607 {offsets = [59, 0], sizes = [1, 1024], strides = [1, 1]} : vector<64x1024xi32> to vector<1x1024xi32>
    %gt3A_609 = vector.broadcast %slice3A_608 : vector<1x1024xi32> to vector<64x1024xi32>
    %gt3A_610 = arith.cmpi sgt, %gt3A_609, %add3A_607 : vector<64x1024xi32>
    %convert_element_type3A_611 = arith.extui %gt3A_610 : vector<64x1024xi1> to vector<64x1024xi32>
    %add3A_612 = arith.addi %add3A_602, %convert_element_type3A_611 : vector<64x1024xi32>
    %eq3A_613 = arith.constant 60 : i32
    %eq3A_614 = vector.broadcast %eq3A_613 : i32 to vector<64x1024xi32>
    %eq3A_615 = arith.cmpi eq, %iota3A, %eq3A_614 : vector<64x1024xi32>
    %convert_element_type3A_616 = arith.extui %eq3A_615 : vector<64x1024xi1> to vector<64x1024xi32>
    %add3A_617 = arith.addi %add3A_607, %convert_element_type3A_616 : vector<64x1024xi32>
    %slice3A_618 = vector.extract_strided_slice %add3A_617 {offsets = [60, 0], sizes = [1, 1024], strides = [1, 1]} : vector<64x1024xi32> to vector<1x1024xi32>
    %gt3A_619 = vector.broadcast %slice3A_618 : vector<1x1024xi32> to vector<64x1024xi32>
    %gt3A_620 = arith.cmpi sgt, %gt3A_619, %add3A_617 : vector<64x1024xi32>
    %convert_element_type3A_621 = arith.extui %gt3A_620 : vector<64x1024xi1> to vector<64x1024xi32>
    %add3A_622 = arith.addi %add3A_612, %convert_element_type3A_621 : vector<64x1024xi32>
    %eq3A_623 = arith.constant 61 : i32
    %eq3A_624 = vector.broadcast %eq3A_623 : i32 to vector<64x1024xi32>
    %eq3A_625 = arith.cmpi eq, %iota3A, %eq3A_624 : vector<64x1024xi32>
    %convert_element_type3A_626 = arith.extui %eq3A_625 : vector<64x1024xi1> to vector<64x1024xi32>
    %add3A_627 = arith.addi %add3A_617, %convert_element_type3A_626 : vector<64x1024xi32>
    %slice3A_628 = vector.extract_strided_slice %add3A_627 {offsets = [61, 0], sizes = [1, 1024], strides = [1, 1]} : vector<64x1024xi32> to vector<1x1024xi32>
    %gt3A_629 = vector.broadcast %slice3A_628 : vector<1x1024xi32> to vector<64x1024xi32>
    %gt3A_630 = arith.cmpi sgt, %gt3A_629, %add3A_627 : vector<64x1024xi32>
    %convert_element_type3A_631 = arith.extui %gt3A_630 : vector<64x1024xi1> to vector<64x1024xi32>
    %add3A_632 = arith.addi %add3A_622, %convert_element_type3A_631 : vector<64x1024xi32>
    %eq3A_633 = arith.constant 62 : i32
    %eq3A_634 = vector.broadcast %eq3A_633 : i32 to vector<64x1024xi32>
    %eq3A_635 = arith.cmpi eq, %iota3A, %eq3A_634 : vector<64x1024xi32>
    %convert_element_type3A_636 = arith.extui %eq3A_635 : vector<64x1024xi1> to vector<64x1024xi32>
    %add3A_637 = arith.addi %add3A_627, %convert_element_type3A_636 : vector<64x1024xi32>
    %slice3A_638 = vector.extract_strided_slice %add3A_637 {offsets = [62, 0], sizes = [1, 1024], strides = [1, 1]} : vector<64x1024xi32> to vector<1x1024xi32>
    %gt3A_639 = vector.broadcast %slice3A_638 : vector<1x1024xi32> to vector<64x1024xi32>
    %gt3A_640 = arith.cmpi sgt, %gt3A_639, %add3A_637 : vector<64x1024xi32>
    %convert_element_type3A_641 = arith.extui %gt3A_640 : vector<64x1024xi1> to vector<64x1024xi32>
    %add3A_642 = arith.addi %add3A_632, %convert_element_type3A_641 : vector<64x1024xi32>
    %eq3A_643 = arith.constant 63 : i32
    %eq3A_644 = vector.broadcast %eq3A_643 : i32 to vector<64x1024xi32>
    %eq3A_645 = arith.cmpi eq, %iota3A, %eq3A_644 : vector<64x1024xi32>
    %convert_element_type3A_646 = arith.extui %eq3A_645 : vector<64x1024xi1> to vector<64x1024xi32>
    %add3A_647 = arith.addi %add3A_637, %convert_element_type3A_646 : vector<64x1024xi32>
    %slice3A_648 = vector.extract_strided_slice %add3A_647 {offsets = [63, 0], sizes = [1, 1024], strides = [1, 1]} : vector<64x1024xi32> to vector<1x1024xi32>
    %gt3A_649 = vector.broadcast %slice3A_648 : vector<1x1024xi32> to vector<64x1024xi32>
    %gt3A_650 = arith.cmpi sgt, %gt3A_649, %add3A_647 : vector<64x1024xi32>
    %convert_element_type3A_651 = arith.extui %gt3A_650 : vector<64x1024xi1> to vector<64x1024xi32>
    %add3A_652 = arith.addi %add3A_642, %convert_element_type3A_651 : vector<64x1024xi32>
    %lt3A = arith.constant 32 : i32
    %lt3A_653 = vector.broadcast %lt3A : i32 to vector<64x1024xi32>
    %lt3A_654 = arith.cmpi slt, %add3A_652, %lt3A_653 : vector<64x1024xi32>
    %jit3A = arith.constant 0.000000e+00 : f32
    %broadcast_in_dim3A_655 = vector.broadcast %jit3A : f32 to vector<64x1024xf32>
    %select_n3A_656 = arith.select %lt3A_654, %transpose3A, %broadcast_in_dim3A_655 : vector<64x1024xi1>, vector<64x1024xf32>
    %get3A_657 = arith.constant 0 : index
    %get3A_658 = arith.constant 0 : index
    %get3A_659 = vector.load %arg4[%get3A_657, %get3A_658] : memref<64x6xf32, #tpu.memory_space<vmem>>, vector<64x6xf32>
    %get3A_660 = arith.constant 0 : index
    %get3A_661 = arith.constant 0 : index
    %get3A_662 = vector.load %arg5[%get3A_660, %get3A_661] : memref<6x64xf32, #tpu.memory_space<vmem>>, vector<6x64xf32>
    %dot_general3A_663 = arith.constant dense<0.000000e+00> : vector<64x64xf32>
    %dot_general3A_664 = tpu.matmul %get3A_659, %get3A_662, %dot_general3A_663 {dimension_numbers = #tpu.dot_dimension_numbers<[1], [0], [0], [1], [0, 0, 1, 1], [], []>, transpose_lhs_hint = false} : vector<64x6xf32>, vector<6x64xf32>, vector<64x64xf32> -> vector<64x64xf32>
    %dot_general3A_665 = arith.constant dense<0.000000e+00> : vector<64x1024xf32>
    %dot_general3A_666 = tpu.matmul %dot_general3A_664, %select_n3A_656, %dot_general3A_665 {dimension_numbers = #tpu.dot_dimension_numbers<[0], [0], [1], [1], [0, 1, 1, 1], [], []>, transpose_lhs_hint = false} : vector<64x64xf32>, vector<64x1024xf32>, vector<64x1024xf32> -> vector<64x1024xf32>
    %mul3A = arith.constant 0.408248305 : f32
    %mul3A_667 = vector.broadcast %mul3A : f32 to vector<64x1024xf32>
    %mul3A_668 = arith.mulf %mul3A_667, %dot_general3A_666 : vector<64x1024xf32>
    %add3A_669 = arith.constant 1.000000e+00 : f32
    %add3A_670 = vector.broadcast %add3A_669 : f32 to vector<64x1024xf32>
    %add3A_671 = arith.addf %add3A_670, %mul3A_668 : vector<64x1024xf32>
    %mul3A_672 = arith.mulf %select_n3A_656, %add3A_671 : vector<64x1024xf32>
    %get3A_673 = arith.constant 0 : index
    %get3A_674 = arith.constant 0 : index
    %get3A_675 = vector.load %arg6[%get3A_673, %get3A_674] : memref<64x1xf32, #tpu.memory_space<vmem>>, vector<64x1xf32>
    %mul3A_676 = vector.broadcast %get3A_675 : vector<64x1xf32> to vector<64x1024xf32>
    %mul3A_677 = arith.mulf %mul3A_672, %mul3A_676 : vector<64x1024xf32>
    %reduce_sum3A = arith.constant dense<0.000000e+00> : vector<1024xf32>
    %reduce_sum3A_678 = vector.multi_reduction <add>, %mul3A_677, %reduce_sum3A [0] : vector<64x1024xf32> to vector<1024xf32>
    %broadcast_in_dim3A_679 = vector.shape_cast %reduce_sum3A_678 : vector<1024xf32> to vector<1x1024xf32>
    %get3A_680 = arith.constant 0 : index
    %get3A_681 = arith.constant 0 : index
    %get3A_682 = vector.load %arg7[%get3A_680, %get3A_681] : memref<1x1xf32, #tpu.memory_space<vmem>>, vector<1x1xf32>
    %add3A_683 = vector.broadcast %get3A_682 : vector<1x1xf32> to vector<1x1024xf32>
    %add3A_684 = arith.addf %broadcast_in_dim3A_679, %add3A_683 : vector<1x1024xf32>
    %logistic3A = arith.negf %add3A_684 : vector<1x1024xf32>
    %logistic3A_685 = math.exp %logistic3A : vector<1x1024xf32>
    %logistic3A_686 = arith.constant 1.000000e+00 : f32
    %logistic3A_687 = vector.broadcast %logistic3A_686 : f32 to vector<1x1024xf32>
    %logistic3A_688 = arith.addf %logistic3A_687, %logistic3A_685 : vector<1x1024xf32>
    %logistic3A_689 = arith.divf %logistic3A_687, %logistic3A_688 : vector<1x1024xf32>
    %mul3A_690 = vector.broadcast %logistic3A_689 : vector<1x1024xf32> to vector<64x1024xf32>
    %mul3A_691 = arith.mulf %mul3A_690, %mul3A_672 : vector<64x1024xf32>
    %sub3A_692 = arith.constant 1.000000e+00 : f32
    %sub3A_693 = vector.broadcast %sub3A_692 : f32 to vector<1x1024xf32>
    %sub3A_694 = arith.subf %sub3A_693, %logistic3A_689 : vector<1x1024xf32>
    %mul3A_695 = vector.broadcast %sub3A_694 : vector<1x1024xf32> to vector<64x1024xf32>
    %mul3A_696 = arith.mulf %mul3A_695, %select_n3A_656 : vector<64x1024xf32>
    %add3A_697 = arith.addf %mul3A_691, %mul3A_696 : vector<64x1024xf32>
    %transpose3A_698 = tpu.transpose %add3A_697, [1, 0] : vector<64x1024xf32> -> vector<1024x64xf32>
    %swap3A = arith.constant 0 : index
    %swap3A_699 = arith.constant 0 : index
    %swap3A_700 = vector.load %arg8[%swap3A, %swap3A_699] : memref<1024x64xf32, #tpu.memory_space<vmem>>, vector<1024x64xf32>
    tpu.vector_store %arg8[%swap3A, %swap3A_699], %transpose3A_698 {strides = array<i32>} : memref<1024x64xf32, #tpu.memory_space<vmem>>, vector<1024x64xf32>,
    return
  }
  func.func @transform_0(%arg0: i32) -> (i32, i32) {
    %c0_i32 = arith.constant 0 : i32
    %c0_i32_0 = arith.constant 0 : i32
    return %arg0, %c0_i32 : i32, i32
  }
  func.func @transform_1(%arg0: i32) -> (i32, i32) {
    %c0_i32 = arith.constant 0 : i32
    %c0_i32_0 = arith.constant 0 : i32
    %c0_i32_1 = arith.constant 0 : i32
    return %c0_i32, %c0_i32_0 : i32, i32
  }
  func.func @transform_2(%arg0: i32) -> (i32, i32) {
    %c0_i32 = arith.constant 0 : i32
    %c0_i32_0 = arith.constant 0 : i32
    %c0_i32_1 = arith.constant 0 : i32
    return %c0_i32, %c0_i32_0 : i32, i32
  }
  func.func @transform_3(%arg0: i32) -> (i32, i32) {
    %c0_i32 = arith.constant 0 : i32
    %c0_i32_0 = arith.constant 0 : i32
    %c0_i32_1 = arith.constant 0 : i32
    return %c0_i32, %c0_i32_0 : i32, i32
  }
  func.func @transform_4(%arg0: i32) -> (i32, i32) {
    %c0_i32 = arith.constant 0 : i32
    %c0_i32_0 = arith.constant 0 : i32
    %c0_i32_1 = arith.constant 0 : i32
    return %c0_i32, %c0_i32_0 : i32, i32
  }
  func.func @transform_5(%arg0: i32) -> (i32, i32) {
    %c0_i32 = arith.constant 0 : i32
    %c0_i32_0 = arith.constant 0 : i32
    %c0_i32_1 = arith.constant 0 : i32
    return %c0_i32, %c0_i32_0 : i32, i32
  }
  func.func @transform_6(%arg0: i32) -> (i32, i32) {
    %c0_i32 = arith.constant 0 : i32
    %c0_i32_0 = arith.constant 0 : i32
    %c0_i32_1 = arith.constant 0 : i32
    return %c0_i32, %c0_i32_0 : i32, i32
  }
  func.func @transform_7(%arg0: i32) -> (i32, i32) {
    %c0_i32 = arith.constant 0 : i32
    %c0_i32_0 = arith.constant 0 : i32
    return %arg0, %c0_i32 : i32, i32
  }
}

</mosaic_0001>

<sc_bundles>
// kernel: kernel.4.cloned.1.call-start
scs
__scs_entry_jumppad:
0x0: {  	(pc) =	sbr.rel $0x88, $3  }
0x1: {  	(tag) =	ssettag $0x0;
	lr =	simm.s32 $0x1  }
0x2: {  	[smem:$0x3F9A] =	sst lr;
	_ =	strace $0xD0000000  }
0x3: {  	_ = 	snop  }
0x4: {  	_ = 	snop  }
0x5: {  	_ = 	snop  }
0x6: {  	_ = 	snop  }
0x7: {  	_ = 	snop  }
__scs_overlays_trampoline_lowered:
0x8: {  	[smem:$0x3FA9] =	sst s0  }
0x9: {  	[smem:$0x3FAA] =	sst s1  }
0xa: {  	[smem:$0x3FAB] =	sst s2  }
0xb: {  	[smem:$0x3FAC] =	sst s3  }
0xc: {  	[smem:$0x3FAD] =	sst s4  }
0xd: {  	[smem:$0x3FAE] =	sst s5  }
0xe: {  	[smem:$0x3FAF] =	sst s6  }
0xf: {  	[smem:$0x3FB0] =	sst s7  }
0x10: {  	[smem:$0x3FB1] =	sst s8  }
0x11: {  	[smem:$0x3FB2] =	sst s9;
	s0 =	simm.s32 @!p0 $0x0  }
0x12: {  	s1 =	sld [smem:$0x3F98];
	s0 =	simm.s32 @p0 $0x1  }
0x13: {  	[smem:$0x3FB3] =	sst s0;
	s0 =	simm.s32 @!p1 $0x0  }
0x14: {  	s2 =	sld [smem:$0x3F97];
	s0 =	simm.s32 @p1 $0x1  }
0x15: {  	[smem:$0x3FB4] =	sst s0;
	s0 =	simm.s32 @!p2 $0x0  }
0x16: {  	s3 =	sld [smem:$0x3FDB];
	s0 =	simm.s32 @p2 $0x1  }
0x17: {  	s4 =	simm.s32 $0x1BF5;
	[smem:$0x3FB6] =	sst s0  }
0x18: {  	s0 =	sld [smem:$0x3F99];
	_ =	swait.ge [sflag:s4], $0x0  }
0x19: {  	s7 =	sld [smem:$0x3F9A]  }
0x1a: {  	s8 =	sadd.s32 $0xFFFFE003, lr  }
0x1b: {  	s9 =	sadd.s32 $0xFFFFFEF7, lr;
	s5 =	simm.s32 $0xFFFFFFFF;
	p2 =	slt.u32 s8, $0xFFFFF086  }
0x1c: {  	p1 =	slt.u32 s9, $0xF7A;
	s5 =	simm.s32 @!p2 $0x0  }
0x1d: {  	s5 =	simm.s32 @p1 $0x1;
	p0 =	seq.s32 s7, s2  }
0x1e: {  	s7 =	smul.u32 @!p0 $0xF7A, s2;
	p2 =	seq.s32 @!p0 s5, $0x0  }
0x1f: {  	s9 =	smul.u32 $0xF7A, s1;
	s8 =	simm.s32 @!p0 $0x1BF5;
	p2 =	por !p2, p0  }
0x20: {  	[sflag:s8] =	ssyncset.s32 @!p0 $0xFFFFF086;
	s6 =	sadd.s32 @!p0 s3, s7;
	s7 =	simm.s32 @!p0 $0x108  }
0x21: {  	s3 =	sadd.s32 s3, s9;
	s6 =	sadd.s32 @!p0 $0x88, s6;
	s7 =	simm.s32 @p2 $0x1082  }
0x22: {  	[simem:s7], [sflag:s8] =	dma.local @!p0 [hbm:s6], $0xF7A  }
0x23: {  	s9 =	sor.u32 $0xD0000000, s2;
	s6 =	simm.s32 $0x108;
	_ =	swait.ge @!p0 [sflag:s8], $0x0  }
0x24: {  	s3 =	sadd.s32 $0x88, s3;
	s6 =	simm.s32 @!p1 $0x1082;
	[sflag:s4] =	ssyncset.s32 $0xFFFFF086  }
0x25: {  	[simem:s6], [sflag:s4] =	dma.local [hbm:s3], $0xF7A  }
0x26: {  	[smem:$0x3F9A] =	sst s1;
	(tag) =	ssettag s2;
	_ =	strace s9  }
0x27: {  	s1 =	sld [smem:$0x3FAA]  }
0x28: {  	s2 =	sld [smem:$0x3FAB]  }
0x29: {  	s4 =	sld [smem:$0x3FAD]  }
0x2a: {  	p0 =	seq.s32 s5, $0x0;
	s5 =	sld [smem:$0x3FAE]  }
0x2b: {  	s6 =	sld [smem:$0x3FAF]  }
0x2c: {  	s7 =	sld [smem:$0x3FB0]  }
0x2d: {  	s3 =	simm.s32 $0x108;
	s8 =	sld [smem:$0x3FB1]  }
0x2e: {  	s3 =	simm.s32 @!p0 $0x1082;
	s9 =	sld [smem:$0x3FB2]  }
0x2f: {  	lr =	sadd.s32 s0, s3;
	s0 =	sld [smem:$0x3FA9]  }
0x30: {  	s3 =	sld [smem:$0x3FAC]  }
0x31: {  	[smem:$0x3FB5] =	sst s10  }
0x32: {  	s10 =	sld [smem:$0x3FB3];
	_ =	sdelay $0x3  }
0x33: {  	p0 =	seq.s32 s10, $0x1;
	s10 =	sld [smem:$0x3FB5];
	_ =	sdelay $0x3  }
0x34: {  	[smem:$0x3FB5] =	sst s10  }
0x35: {  	s10 =	sld [smem:$0x3FB4];
	_ =	sdelay $0x3  }
0x36: {  	p1 =	seq.s32 s10, $0x1;
	s10 =	sld [smem:$0x3FB5];
	_ =	sdelay $0x3  }
0x37: {  	[smem:$0x3FB5] =	sst s10  }
0x38: {  	s10 =	sld [smem:$0x3FB6]  }
0x39: {  	_ = 	snop;
	(pc) =	sbr.ind lr, $3  }
0x3a: {  	_ = 	snop  }
0x3b: {  	_ = 	snop  }
0x3c: {  	p2 =	seq.s32 s10, $0x1;
	s10 =	sld [smem:$0x3FB5]  }
0x3d: {  	_ =	shalt  }
0x3e: {  	_ =	shalt  }
0x3f: {  	_ =	shalt  }
0x40: {  	_ =	shalt  }
0x41: {  	_ =	shalt  }
0x42: {  	_ =	shalt  }
0x43: {  	_ =	shalt  }
0x44: {  	_ =	shalt  }
0x45: {  	_ =	shalt  }
0x46: {  	_ =	shalt  }
0x47: {  	_ =	shalt  }
0x48: {  	_ =	shalt  }
0x49: {  	_ =	shalt  }
0x4a: {  	_ =	shalt  }
0x4b: {  	_ =	shalt  }
0x4c: {  	_ =	shalt  }
0x4d: {  	_ =	shalt  }
0x4e: {  	_ =	shalt  }
0x4f: {  	_ =	shalt  }
0x50: {  	_ =	shalt  }
0x51: {  	_ =	shalt  }
0x52: {  	_ =	shalt  }
0x53: {  	_ =	shalt  }
0x54: {  	_ =	shalt  }
0x55: {  	_ =	shalt  }
0x56: {  	_ =	shalt  }
0x57: {  	_ =	shalt  }
0x58: {  	_ =	shalt  }
0x59: {  	_ =	shalt  }
0x5a: {  	_ =	shalt  }
0x5b: {  	_ =	shalt  }
0x5c: {  	_ =	shalt  }
0x5d: {  	_ =	shalt  }
0x5e: {  	_ =	shalt  }
0x5f: {  	_ =	shalt  }
0x60: {  	_ =	shalt  }
0x61: {  	_ =	shalt  }
0x62: {  	_ =	shalt  }
0x63: {  	_ =	shalt  }
0x64: {  	_ =	shalt  }
0x65: {  	_ =	shalt  }
0x66: {  	_ =	shalt  }
0x67: {  	_ =	shalt  }
0x68: {  	_ =	shalt  }
0x69: {  	_ =	shalt  }
0x6a: {  	_ =	shalt  }
0x6b: {  	_ =	shalt  }
0x6c: {  	_ =	shalt  }
0x6d: {  	_ =	shalt  }
0x6e: {  	_ =	shalt  }
0x6f: {  	_ =	shalt  }
0x70: {  	_ =	shalt  }
0x71: {  	_ =	shalt  }
0x72: {  	_ =	shalt  }
0x73: {  	_ =	shalt  }
0x74: {  	_ =	shalt  }
0x75: {  	_ =	shalt  }
0x76: {  	_ =	shalt  }
0x77: {  	_ =	shalt  }
0x78: {  	_ =	shalt  }
0x79: {  	_ =	shalt  }
0x7a: {  	_ =	shalt  }
0x7b: {  	_ =	shalt  }
0x7c: {  	_ =	shalt  }
0x7d: {  	_ =	shalt  }
0x7e: {  	_ =	shalt  }
0x7f: {  	_ =	shalt  }
0x80: {  	_ =	shalt  }
0x81: {  	_ =	shalt  }
0x82: {  	_ =	shalt  }
0x83: {  	_ =	shalt  }
0x84: {  	_ =	shalt  }
0x85: {  	_ =	shalt  }
0x86: {  	_ =	shalt  }
0x87: {  	_ =	shalt  }
.Lfunc_end0:
.L_simem_size_0:
called_computation_lowered:
.L_overlay_start_0:
0x88: {  	s2 =	sld [smem:$0x3FD9]  }
0x89: {  	s3 =	sld [smem:$0x3FFE];
	_ =	sdelay $0x1  }
0x8a: {  	s1 =	srdreg.scid  }
0x8b: {  	s0 =	sand.u32 $0x1, s1  }
0x8c: {  	s17 =	sshll.u32 s0, $0xA;
	s2 =	sadd.s32 s3, s2  }
0x8d: {  	s2 =	sadd.s32 s2, s17  }
0x8e: {  	[smem:$0x3FC1] =	sst s2  }
0x8f: {  	_ = 	snop  }
0x90: {  	s2 =	sld [smem:$0x3FC7]  }
0x91: {  	s18 =	sld [smem:$0x3FD0];
	(tm) =	ssettm $0x1  }
0x92: {  	s4 =	sld [smem:$0x3FFB];
	_ =	sdelay $0x3  }
0x93: {  	_ =	strace s4  }
0x94: {  	s4 =	sld [smem:$0x3FFC];
	_ =	sdelay $0x3  }
0x95: {  	_ =	strace s4  }
0x96: {  	s4 =	sld [smem:$0x3FFD];
	_ =	sdelay $0x3  }
0x97: {  	_ =	strace s4  }
0x98: {  	_ =	strace $0x8FFFFFFF  }
0x99: {  	s19 =	sld [smem:$0x3FDB];
	_ =	sdelay $0x1  }
0x9a: {  	s5 =	simm.s32 $_scs_section_size  }
0x9b: {  	s6 =	simm.s32 $_size__tile_overlayer_lowered;
	s7 =	simm.s32 $_tile_overlayer_lowered  }
0x9c: {  	s22 =	simm.s32 $0x1BFF;
	s21 =	sshll.u32 s7, $0x1;
	s4 =	sadd.s32 s5, s19  }
0x9d: {  	s8 =	simm.s32 $0x0;
	s20 =	sshll.u32 s6, $0x1;
	s6 =	sadd.s32 s21, s4  }
0x9e: {  	[timem:s8], [sflag:s22] =	dma.local [hbm:s6], s20  }
0x9f: {  	_ =	swait.ge [sflag:s22], s20  }
0xa0: {  	s5 =	ssub.s32 $0x0, s20;
	[sflag:s22] =	ssyncset.done $0x0  }
0xa1: {  	[sflag:s22] =	ssyncadd.s32 s5;
	_ =	sdelay $0x1  }
0xa2: {  	s23 =	simm.s32 $0x1B8B  }
0xa3: {  	_ =	swait.ge [sflag:s23], $0x1  }
0xa4: {  	[sflag:s23] =	ssyncset.done $0x0  }
0xa5: {  	s25 =	simm.s32 $0x1B8E;
	s24 =	sld [smem:$0x3FFE];
	[sflag:s23] =	ssyncadd.s32 $0xFFFFFFFF  }
0xa6: {  	s26 =	simm.s32 $execute0_lowered;
	[smem:$0x3FD2] =	sst s25  }
0xa7: {  	s6 =	sshll.u32 s26, $0x1;
	_ =	strace $0x80000046;
	[dreg:$0x1] =	wrdreg $0xFFFFFFFF  }
0xa8: {  	s28 =	simm.s32 $_size_execute0_lowered;
	s4 =	sadd.s32 s4, s6;
	[dreg:$0x0] =	wrdreg $0x0  }
0xa9: {  	s6 =	sshll.u32 s28, $0x1;
	[dreg:$0x2] =	wrdreg s4  }
0xaa: {  	[dreg:$0x3] =	wrdreg s6  }
0xab: {  	[dreg:$0x4] =	wrdreg $0xC0  }
0xac: {  	_ =	task [dreg:s8], $0x5FFFF  }
0xad: {  	[dreg:$0x1] =	wrdreg $0xFFFFFFFF  }
0xae: {  	[dreg:$0x0] =	wrdreg $0x60  }
0xaf: {  	[dreg:$0x2] =	wrdreg s18  }
0xb0: {  	[dreg:$0x3] =	wrdreg s24  }
0xb1: {  	[dreg:$0x4] =	wrdreg s2  }
0xb2: {  	[dreg:$0x5] =	wrdreg $0x9  }
0xb3: {  	_ =	task.clear_ibuf [dreg:s8], $0x6FFFF;
	_ =	strace $0x90000046  }
0xb4: {  	s29 =	simm.s32 $0x9;
	_ =	strace $0x80000048  }
0xb5: {  	_ =	swait.ge [sflag:s29], $0x1  }
0xb6: {  	[sflag:s29] =	ssyncadd.s32 $0xFFFFFFFF  }
0xb7: {  	_ =	strace $0x90000048  }
0xb8: {  	_ =	sfence  }
0xb9: {  	s30 =	sld [smem:$0x0];
	_ =	sdelay $0x2  }
0xba: {  	s31 =	sshll.u32 s1, $0xD;
	s1 =	sshrl.u32 s1, $0x2  }
0xbb: {  	s3 =	sand.u32 $0x4000, s31;
	s1 =	sadd.s32 s1, s30  }
0xbc: {  	s0 =	sor.u32 s3, s0;
	s1 =	sshll.u32 s1, $0x11  }
0xbd: {  	s0 =	sor.u32 s1, s0  }
0xbe: {  	s0 =	sadd.s32 $0x8F2B, s0  }
0xbf: {  	[sflag:s0] =	ssyncadd.remote.s32 $0x1  }
0xc0: {  	_ =	sfence.sel $0xFFFF  }
0xc1: {  	[dreg:$0x0] =	wrdreg $0xFFFFFFFF;
	(pc) =	sbr.abs _section_cstart, $3  }
0xc2: {  	[dreg:$0x1] =	wrdreg $0xFFFFFFFF  }
0xc3: {  	_ =	task.clear_ibuf [dreg:s8], $0x2FFFF;
	_ =	strace $0x9FFFFFFF  }
0xc4: {  	(tm) =	ssettm $0x7FFFFFFF  }
0xc5: {  	_ =	shalt  }
tec
execute0_lowered:
.L_overlay_start_1:
0x0: {  	(tag) =	ssettag $0x1  }
0x1: {  	s9 =	rddreg [dreg:$0x0]  }
0x2: {  	s10 =	rddreg [dreg:$0x1]  }
0x3: {  	s1 =	rddreg [dreg:$0x2]  }
0x4: {  	s0 =	rddreg [dreg:$0x3];
	s2 =	simm.s32 $0x0;
	s6 =	srdreg.scid  }
0x5: {  	s3 =	stileid.u32;
	s14 =	simm.s32 $0x4000;
	s15 =	simm.s32 $0x4080  }
0x6: {  	s16 =	simm.s32 $0x4480;
	s17 =	simm.s32 $0x4880;
	s18 =	simm.s32 $0x4900  }
0x7: {  	s19 =	simm.s32 $0x4A00;
	s20 =	simm.s32 $0x4980;
	s21 =	simm.s32 $0x1000  }
0x8: {  	s22 =	simm.s32 $0x0;
	[smem:$0x7FF] =	sst s2;
	s4 =	sadd.s32 $0x1800, s10  }
0x9: {  	s5 =	sadd.s32 $0x1400, s10;
	s8 =	sand.u32 $0x1, s6;
	s6 =	sadd.s32 $0x1600, s10  }
0xa: {  	s11 =	sshll.u32 s3, $0xA;
	s7 =	sadd.s32 $0x1200, s10;
	s12 =	sshll.u32 s8, $0x9  }
0xb: {  	_ =	strace $0x80000047;
	s31 =	ssub.s32 $0x2, s8;
	s11 =	sor.u32 s12, s11  }
0xc: {  	vm0 =	vcmask $0x300;
	v0 =	vimm.s32 $0xFFFFFFFF;
	s8 =	sadd.s32 $0x1C00, s10;
	s13 =	sshrl.u32 s31, $0x1;
	s10 =	sadd.s32 s11, s10  }
0xd: {  	v1 =	vimm.s32 $0x0;
	v2 =	vlaneseq.u32;
	v0 =	vsel vm0, $0x0, v0;
	s12 =	ssub.s32 s31, s13;
	s9 =	sadd.s32 s9, s11;
	s13 =	simm.s32 $0x1  }
0xe: {  	v3 =	vor.u32 $0x10, v2;
	v4 =	vor.u32 $0x20, v2;
	v5 =	vor.u32 $0x30, v2;
	s10 =	sadd.s32 $0x1E00, s10;
	s11 =	smax.u32 s12, $0x1;
	s12 =	simm.s32 $0x2000  }
.LBB2_1:
0xf: {  	[tilespmem:s12], [sflag:$0x1] =	stream.linear.gather [hbm4b:s4+s2], $0x2000, $0x38;
	[tilespmem:$0x4A80] =	vst v63  }
0x10: {  	_ =	swait.ge [sflag:s13], $0x2000  }
0x11: {  	[sflag:s13] =	ssyncset.done $0x0  }
0x12: {  	[sflag:s13] =	ssyncadd.s32 $0xFFFFE000  }
0x13: {  	[tilespmem:s14], [sflag:$0x1] =	stream.linear.gather [hbm4b:s1+s2], $0x80, $0x38;
	[tilespmem:$0x4A80] =	vst v63  }
0x14: {  	_ =	swait.ge [sflag:s13], $0x80  }
0x15: {  	[sflag:s13] =	ssyncset.done $0x0  }
0x16: {  	[sflag:s13] =	ssyncadd.s32 $0xFFFFFF80  }
0x17: {  	[tilespmem:s15], [sflag:$0x1] =	stream.linear.gather [hbm4b:s5+s2], $0x300, $0x38;
	[tilespmem:$0x4A80] =	vst v63  }
0x18: {  	_ =	swait.ge [sflag:s13], $0x300  }
0x19: {  	[sflag:s13] =	ssyncset.done $0x0  }
0x1a: {  	[sflag:s13] =	ssyncadd.s32 $0xFFFFFD00  }
0x1b: {  	[tilespmem:s16], [sflag:$0x1] =	stream.linear.gather [hbm4b:s6+s2], $0x300, $0x38;
	[tilespmem:$0x4A80] =	vst v63  }
0x1c: {  	_ =	swait.ge [sflag:s13], $0x300  }
0x1d: {  	[sflag:s13] =	ssyncset.done $0x0  }
0x1e: {  	[sflag:s13] =	ssyncadd.s32 $0xFFFFFD00  }
0x1f: {  	[tilespmem:s17], [sflag:$0x1] =	stream.linear.gather [hbm4b:s7+s2], $0x80, $0x38;
	[tilespmem:$0x4A80] =	vst v63  }
0x20: {  	_ =	swait.ge [sflag:s13], $0x80  }
0x21: {  	[sflag:s13] =	ssyncset.done $0x0  }
0x22: {  	[sflag:s13] =	ssyncadd.s32 $0xFFFFFF80  }
0x23: {  	[tilespmem:s18], [sflag:$0x1] =	stream.linear.gather [hbm4b:s8+s2], $0x80, $0x38;
	[tilespmem:$0x4A80] =	vst v63  }
0x24: {  	_ =	swait.ge [sflag:s13], $0x80  }
0x25: {  	[sflag:s13] =	ssyncset.done $0x0  }
0x26: {  	[sflag:s13] =	ssyncadd.s32 $0xFFFFFF80  }
0x27: {  	[tilespmem:s2], [sflag:$0x1] =	stream.linear.gather [hbm4b:s9+s2], $0x1000, $0x38;
	[tilespmem:$0x4A80] =	vst v63  }
0x28: {  	_ =	swait.ge [sflag:s13], $0x1000  }
0x29: {  	[sflag:s13] =	ssyncset.done $0x0  }
0x2a: {  	s23 =	simm.s32 $0x0;
	[sflag:s13] =	ssyncadd.s32 $0xFFFFF000  }
.LBB2_2:
0x2b: {  	s24 =	sshll.u32 s23, $0x7  }
0x2c: {  	v9 =	vld [tilespmem:s24+$0x0]  }
0x2d: {  	v8 =	vld [tilespmem:s24+$0x10]  }
0x2e: {  	v6 =	vld [tilespmem:s24+$0x20]  }
0x2f: {  	v7 =	vld [tilespmem:s24+$0x30];
	_ =	sdelay $0x2  }
0x30: {  	s25 =	simm.s32 $0x0  }
0x31: {  	v17 =	vmov s25;
	v10 =	vshrl.u32 v9, $0x10;
	v11 =	vshrl.u32 v8, $0x10  }
0x32: {  	v12 =	vshrl.u32 v6, $0x10;
	v13 =	vshrl.u32 v7, $0x10;
	v10 =	vand.u32 $0x1, v10  }
0x33: {  	v11 =	vand.u32 $0x1, v11;
	v12 =	vand.u32 $0x1, v12;
	v10 =	vadd.s32 v10, v9  }
0x34: {  	v13 =	vand.u32 $0x1, v13;
	v11 =	vadd.s32 v11, v8;
	v10 =	vadd.s32 $0x7FFF, v10  }
0x35: {  	v12 =	vadd.s32 v12, v6;
	v11 =	vadd.s32 $0x7FFF, v11;
	v10 =	vand.u32 $0xFFFF0000, v10  }
0x36: {  	v13 =	vadd.s32 v13, v7;
	v12 =	vadd.s32 $0x7FFF, v12;
	v11 =	vand.u32 $0xFFFF0000, v11;
	[tilespmem:$0x4A00] =	vst v10  }
0x37: {  	v13 =	vadd.s32 $0x7FFF, v13;
	v12 =	vand.u32 $0xFFFF0000, v12;
	[tilespmem:$0x4A10] =	vst v11  }
0x38: {  	v16 =	vld [tilespmem:$0x4000];
	v13 =	vand.u32 $0xFFFF0000, v13;
	[tilespmem:$0x4A20] =	vst v12  }
0x39: {  	v15 =	vld [tilespmem:$0x4010];
	[tilespmem:$0x4A30] =	vst v13  }
0x3a: {  	s26 =	simm.s32 $0x2020;
	v19 =	vld.idx.msk [tilespmem:v17+s19+$0x0], $0xffff  }
0x3b: {  	s31 =	simm.s32 $0x1;
	v23 =	vld [tilespmem:s26+$0x10]  }
0x3c: {  	v18 =	vmov s31;
	v17 =	vld [tilespmem:$0x4030]  }
0x3d: {  	v22 =	vld [tilespmem:s26+$0xFFFFFFE0]  }
0x3e: {  	v21 =	vld [tilespmem:s26+$0xFFFFFFF0]  }
0x3f: {  	v20 =	vld [tilespmem:s26+$0x0]  }
0x40: {  	v14 =	vld [tilespmem:$0x4020];
	s30 =	simm.s32 $0x2;
	s29 =	simm.s32 $0x20A0  }
0x41: {  	s28 =	sor.u32 $0x10, s24;
	s25 =	sor.u32 $0x20, s24;
	s26 =	sor.u32 $0x30, s24;
	v18 =	vld.idx.msk [tilespmem:v18+s19+$0x0], $0xffff;
	v23 =	vmul.f32 v23, v19  }
.LBB2_3:
0x42: {  	v24 =	vmov s30;
	p0 =	sne.s32 s30, $0x3F;
	s30 =	sadd.s32 $0x1, s30;
	v25 =	vld [tilespmem:s29+$0x10];
	v26 =	vmul.f32 v22, v19  }
.Ltmp0:
0x43: {  	v22 =	vld [tilespmem:s29+$0xFFFFFFE0];
	v27 =	vmul.f32 v21, v19;
	v17 =	vadd.f32 v23, v17;
	(pc) =	sbr.rel @p0 .LBB2_3-.Ltmp0, $4  }
0x44: {  	v21 =	vld [tilespmem:s29+$0xFFFFFFF0];
	v16 =	vadd.f32 v26, v16;
	v26 =	vmul.f32 v20, v19  }
0x45: {  	v20 =	vld [tilespmem:s29+$0x0];
	v15 =	vadd.f32 v27, v15  }
0x46: {  	v14 =	vadd.f32 v26, v14  }
0x47: {  	s29 =	sadd.s32 $0x80, s29;
	v19 =	vmov v18;
	v23 =	vmul.f32 v25, v18;
	v18 =	vld.idx.msk [tilespmem:v24+s19+$0x0], $0xffff  }
0x48: {  	v24 =	vld [tilespmem:s29+$0xFFFFFFE0]  }
0x49: {  	v25 =	vld [tilespmem:s29+$0x10]  }
0x4a: {  	v26 =	vld [tilespmem:s29+$0xFFFFFFF0]  }
0x4b: {  	v27 =	vld [tilespmem:s29+$0x0]  }
0x4c: {  	v22 =	vmul.f32 v22, v19  }
0x4d: {  	v21 =	vmul.f32 v21, v19  }
0x4e: {  	v17 =	vadd.f32 v23, v17;
	v16 =	vadd.f32 v22, v16;
	v19 =	vmul.f32 v20, v19  }
0x4f: {  	v15 =	vadd.f32 v21, v15;
	v22 =	vmul.f32 v24, v18;
	v20 =	vmul.f32 v26, v18  }
0x50: {  	v14 =	vadd.f32 v19, v14;
	v19 =	vmul.f32 v25, v18;
	v18 =	vmul.f32 v27, v18  }
0x51: {  	v16 =	vadd.f32 v22, v16;
	v15 =	vadd.f32 v20, v15  }
0x52: {  	s29 =	simm.s32 $0x0;
	v17 =	vadd.f32 v19, v17;
	v14 =	vadd.f32 v18, v14  }
0x53: {  	v19 =	vmov s29;
	v20 =	vsub.s32 $0x80000000, v16;
	vm0 =	vlt.s32 v16, $0x0  }
0x54: {  	v18 =	vsub.s32 $0x80000000, v15;
	v16 =	vsel vm0, v20, v16;
	vm0 =	vlt.s32 v15, $0x0  }
0x55: {  	[tilespmem:$0x4980] =	vst v16;
	v15 =	vsel vm0, v18, v15;
	v18 =	vsub.s32 $0x80000000, v14;
	vm0 =	vlt.s32 v14, $0x0  }
0x56: {  	[tilespmem:$0x4990] =	vst v15;
	v20 =	vsel vm0, v18, v14;
	v14 =	vsub.s32 $0x80000000, v17;
	vm0 =	vlt.s32 v17, $0x0  }
0x57: {  	[tilespmem:$0x49A0] =	vst v20;
	v17 =	vsel vm0, v14, v17  }
0x58: {  	[tilespmem:$0x49B0] =	vst v17  }
0x59: {  	v22 =	vld.idx.msk [tilespmem:v19+s20+$0x0], $0xffff;
	_ =	sdelay $0x1  }
0x5a: {  	s29 =	simm.s32 $0x1  }
0x5b: {  	v63 =	vimm.s32 $0x0;
	v23 =	vmov s29;
	v18 =	vadd.s32 $0xFFFFFFFF, v15  }
0x5c: {  	v14 =	vadd.s32 v0, v16;
	v21 =	vadd.s32 $0xFFFFFFFF, v17;
	v19 =	vadd.s32 $0xFFFFFFFF, v20  }
0x5d: {  	vm0 =	vgt.s32 v22, v21;
	vm1 =	vgt.s32 v22, v18;
	vm2 =	vgt.s32 v22, v19  }
0x5e: {  	v15 =	vsel vm0, $0x1, v1;
	vm0 =	vgt.s32 v22, v14;
	v16 =	vsel vm1, $0x1, v1  }
0x5f: {  	v17 =	vsel vm2, $0x1, v1;
	vm1 =	veq.s32 v23, v3;
	vm2 =	veq.s32 v23, v5  }
0x60: {  	v22 =	vld.idx.msk [tilespmem:v23+s20+$0x0], $0xffff;
	v20 =	vadd.s32 v15, v63;
	v15 =	vsel vm0, $0x1, v1;
	v16 =	vadd.s32 v16, v63  }
0x61: {  	s29 =	simm.s32 $0x2;
	v17 =	vadd.s32 v17, v63;
	vm0 =	veq.s32 v23, v2;
	v15 =	vadd.s32 v15, v63  }
.LBB2_5:
0x62: {  	v24 =	vmov v23  }
0x63: {  	v23 =	vmov s29;
	p0 =	sne.s32 s29, $0x3F;
	vm3 =	veq.s32 v24, v4;
	v24 =	vsel vm2, $0x1, v1  }
0x64: {  	v25 =	vsel vm0, $0x1, v1;
	v26 =	vsel vm1, $0x1, v1;
	v21 =	vadd.s32 v24, v21  }
0x65: {  	v14 =	vadd.s32 v25, v14;
	v24 =	vsel vm3, $0x1, v1;
	vm0 =	vgt.s32 v22, v21  }
0x66: {  	v18 =	vadd.s32 v26, v18;
	v19 =	vadd.s32 v24, v19;
	v25 =	vsel vm0, $0x1, v1  }
.Ltmp1:
0x67: {  	vm1 =	vgt.s32 v22, v18;
	vm0 =	vgt.s32 v22, v14;
	v20 =	vadd.s32 v25, v20;
	(pc) =	sbr.rel @p0 .LBB2_5-.Ltmp1, $4  }
0x68: {  	v24 =	vsel vm0, $0x1, v1;
	v25 =	vsel vm1, $0x1, v1;
	vm0 =	vgt.s32 v22, v19;
	v22 =	vld.idx.msk [tilespmem:v23+s20+$0x0], $0xffff  }
0x69: {  	v15 =	vadd.s32 v24, v15;
	v16 =	vadd.s32 v25, v16;
	v24 =	vsel vm0, $0x1, v1  }
0x6a: {  	v17 =	vadd.s32 v24, v17  }
0x6b: {  	s29 =	sadd.s32 $0x1, s29;
	vm2 =	veq.s32 v23, v5;
	vm1 =	veq.s32 v23, v3;
	vm0 =	veq.s32 v23, v2  }
0x6c: {  	v24 =	vld [tilespmem:$0x4080]  }
0x6d: {  	v25 =	vld [tilespmem:$0x4090]  }
0x6e: {  	v26 =	vld [tilespmem:$0x40A0]  }
0x6f: {  	v28 =	vld [tilespmem:$0x40B0]  }
0x70: {  	v27 =	vsel vm2, $0x1, v1;
	vm8 =	veq.s32 v23, v4;
	v54 =	vld [tilespmem:$0x4100];
	v55 =	vsel vm0, $0x1, v1  }
0x71: {  	v29 =	vsel vm1, $0x1, v1;
	v56 =	vld [tilespmem:$0x4110];
	v21 =	vadd.s32 v27, v21;
	v14 =	vadd.s32 v55, v14  }
0x72: {  	v58 =	vld [tilespmem:$0x4120];
	v57 =	vsel vm8, $0x1, v1;
	v18 =	vadd.s32 v29, v18;
	vm9 =	vgt.s32 v22, v21  }
0x73: {  	v59 =	vld [tilespmem:$0x4130];
	v19 =	vadd.s32 v57, v19;
	vm10 =	vgt.s32 v22, v14;
	vm11 =	vgt.s32 v22, v18  }
0x74: {  	v61 =	vld [tilespmem:$0x4180];
	v30 =	vsel vm9, $0x1, v1;
	v62 =	vsel vm10, $0x1, v1;
	v63 =	vsel vm11, $0x1, v1  }
0x75: {  	v34 =	vld [tilespmem:$0x4190];
	vm12 =	vgt.s32 v22, v19;
	v15 =	vadd.s32 v62, v15;
	v16 =	vadd.s32 v63, v16  }
0x76: {  	v37 =	vld [tilespmem:$0x4200];
	v60 =	vadd.s32 v30, v20;
	vm3 =	vlt.s32 v15, $0x20;
	vm13 =	vlt.s32 v16, $0x20  }
0x77: {  	v40 =	vld [tilespmem:$0x4210];
	v33 =	vsel vm12, $0x1, v1;
	v10 =	vnsel vm3, $0x0, v10;
	v11 =	vnsel vm13, $0x0, v11  }
0x78: {  	v36 =	vld [tilespmem:$0x41B0];
	vm15 =	vlt.s32 v60, $0x20;
	v38 =	vmul.f32 v24, v10;
	v39 =	vmul.f32 v25, v11  }
0x79: {  	v46 =	vld [tilespmem:$0x4280];
	v13 =	vnsel vm15, $0x0, v13;
	v23 =	vmul.f32 v54, v10;
	v21 =	vmul.f32 v56, v11  }
0x7a: {  	v49 =	vld [tilespmem:$0x4290];
	v17 =	vadd.s32 v33, v17;
	v43 =	vmul.f32 v28, v13;
	v14 =	vmul.f32 v59, v13  }
0x7b: {  	v35 =	vld [tilespmem:$0x41A0];
	vm14 =	vlt.s32 v17, $0x20;
	v47 =	vmul.f32 v61, v10;
	v48 =	vmul.f32 v34, v11  }
0x7c: {  	v41 =	vld [tilespmem:$0x4220];
	v12 =	vnsel vm14, $0x0, v12;
	v16 =	vmul.f32 v37, v10;
	v22 =	vmul.f32 v40, v11  }
0x7d: {  	v51 =	vld [tilespmem:$0x42A0];
	v15 =	vmul.f32 v36, v13;
	v42 =	vmul.f32 v26, v12;
	v17 =	vadd.f32 v39, v38  }
0x7e: {  	v44 =	vld [tilespmem:$0x4230];
	v56 =	vmul.f32 v46, v10;
	v45 =	vmul.f32 v58, v12;
	v21 =	vadd.f32 v21, v23  }
0x7f: {  	v55 =	vld [tilespmem:$0x42B0];
	v57 =	vmul.f32 v49, v11;
	v18 =	vadd.f32 v48, v47;
	v17 =	vadd.f32 v42, v17  }
0x80: {  	v50 =	vmul.f32 v35, v12;
	v16 =	vadd.f32 v22, v16;
	v21 =	vadd.f32 v45, v21  }
0x81: {  	v52 =	vmul.f32 v41, v12;
	v60 =	vadd.f32 v57, v56;
	v17 =	vadd.f32 v43, v17  }
0x82: {  	v61 =	vmul.f32 v51, v12;
	v53 =	vadd.f32 v50, v18;
	v14 =	vadd.f32 v14, v21  }
0x83: {  	v54 =	vmul.f32 v44, v13;
	v16 =	vadd.f32 v52, v16;
	(xrf2) =	vadd.scan.msk.f32 $0xffff, v17  }
0x84: {  	v62 =	vld [tilespmem:$0x4310];
	v63 =	vadd.f32 v61, v60;
	v58 =	vadd.f32 v15, v53;
	v21 =	vmul.f32 v55, v13;
	(xrf2) =	vadd.scan.msk.f32 $0xffff, v14  }
0x85: {  	v59 =	vld [tilespmem:$0x4300];
	v16 =	vadd.f32 v54, v16  }
0x86: {  	v14 =	vadd.f32 v21, v63;
	(xrf2) =	vadd.scan.msk.f32 $0xffff, v58  }
0x87: {  	v22 =	vld [tilespmem:$0x4320];
	(xrf2) =	vadd.scan.msk.f32 $0xffff, v16  }
0x88: {  	(xrf2) =	vadd.scan.msk.f32 $0xffff, v14  }
0x89: {  	v23 =	vld [tilespmem:$0x4330]  }
0x8a: {  	v11 =	vmul.f32 v62, v11;
	v10 =	vmul.f32 v59, v10  }
0x8b: {  	v31 =	vld [tilespmem:$0x4500]  }
0x8c: {  	v29 =	vld [tilespmem:$0x4480];
	v10 =	vadd.f32 v11, v10;
	v25 =	vmul.f32 v22, v12  }
0x8d: {  	v33 =	vld [tilespmem:$0x4580];
	v24, _, _ =	vpop (xrf2)  }
0x8e: {  	v36 =	vld [tilespmem:$0x4600];
	v28 =	vmul.f32 v23, v13;
	v10 =	vadd.f32 v25, v10;
	v26 =	vbroadcast v24, $0xF;
	v27, _, _ =	vpop (xrf2)  }
0x8f: {  	v37 =	vld [tilespmem:$0x4680];
	v14 =	vbroadcast v27, $0xF  }
0x90: {  	v9 =	vnsel vm3, $0x0, v9;
	v44 =	vld [tilespmem:$0x4510];
	v10 =	vadd.f32 v28, v10;
	v32, _, _ =	vpop (xrf2);
	v30 =	vshrl.u32 v26, $0x10  }
0x91: {  	v46 =	vld [tilespmem:$0x4590];
	v17 =	vbroadcast v32, $0xF;
	v35, _, _ =	vpop (xrf2);
	v15 =	vand.u32 $0x1, v30;
	v34 =	vshrl.u32 v14, $0x10  }
0x92: {  	v49 =	vld [tilespmem:$0x4690];
	(xrf2) =	vadd.scan.msk.f32 $0xffff, v10;
	v18 =	vbroadcast v35, $0xF;
	v42, _, _ =	vpop (xrf2);
	v12 =	vadd.s32 v15, v26;
	v15 =	vand.u32 $0x1, v34  }
0x93: {  	v41 =	vld [tilespmem:$0x4490];
	v38 =	vshrl.u32 v17, $0x10;
	v45 =	vbroadcast v42, $0xF;
	v12 =	vadd.s32 $0x7FFF, v12  }
0x94: {  	v51 =	vld [tilespmem:$0x4520];
	v14 =	vadd.s32 v15, v14;
	v15 =	vand.u32 $0x1, v38;
	v40 =	vshrl.u32 v18, $0x10  }
0x95: {  	v56 =	vld [tilespmem:$0x4530];
	v12 =	vand.u32 $0xFFFF0000, v12;
	v14 =	vadd.s32 $0x7FFF, v14;
	v15 =	vadd.s32 v15, v17  }
0x96: {  	v62 =	vld [tilespmem:$0x45B0];
	v43 =	vand.u32 $0x1, v40;
	v48 =	vshrl.u32 v45, $0x10;
	v14 =	vand.u32 $0xFFFF0000, v14  }
0x97: {  	v59 =	vld [tilespmem:$0x45A0];
	v15 =	vadd.s32 $0x7FFF, v15;
	v17 =	vadd.s32 v43, v18;
	v13 =	vmul.f32 v12, v29  }
0x98: {  	v47 =	vld [tilespmem:$0x4610];
	v25 =	vand.u32 $0x1, v48;
	v22 =	vmul.f32 v12, v41;
	v17 =	vadd.s32 $0x7FFF, v17  }
0x99: {  	v50 =	vld [tilespmem:$0x44A0];
	v16 =	vmul.f32 v14, v31;
	v15 =	vand.u32 $0xFFFF0000, v15;
	v21 =	vmul.f32 v14, v44  }
0x9a: {  	v53 =	vld [tilespmem:$0x44B0];
	v18 =	vadd.s32 v25, v45;
	v63 =	vmul.f32 v14, v51;
	v14 =	vmul.f32 v14, v56  }
0x9b: {  	v34 =	vld [tilespmem:$0x46B0];
	v17 =	vand.u32 $0xFFFF0000, v17;
	v11 =	vmul.f32 v15, v33;
	v55 =	vmul.f32 v15, v46  }
0x9c: {  	v18 =	vadd.s32 $0x7FFF, v18;
	v54, _, _ =	vpop (xrf2);
	v33 =	vmul.f32 v15, v59;
	v15 =	vmul.f32 v15, v62  }
0x9d: {  	v29 =	vld [tilespmem:$0x4620];
	v13 =	vadd.f32 v16, v13;
	v52 =	vmul.f32 v17, v36;
	v27 =	vbroadcast v54, $0xF  }
0x9e: {  	v31 =	vld [tilespmem:$0x4630];
	v18 =	vand.u32 $0xFFFF0000, v18;
	v58 =	vmul.f32 v17, v47;
	v16 =	vmul.f32 v12, v50  }
0x9f: {  	v21 =	vadd.f32 v21, v22;
	v12 =	vmul.f32 v12, v53;
	v10 =	vmul.f32 v18, v37  }
0xa0: {  	v39 =	vld [tilespmem:$0x4700];
	v61 =	vmul.f32 v18, v49;
	v40 =	vmul.f32 v18, v34;
	v11 =	vadd.f32 v11, v13  }
0xa1: {  	v57 =	vld [tilespmem:$0x4710];
	v21 =	vadd.f32 v55, v21;
	v60 =	vshrl.u32 v27, $0x10;
	v16 =	vadd.f32 v63, v16  }
0xa2: {  	v32 =	vld [tilespmem:$0x46A0];
	v12 =	vadd.f32 v14, v12;
	v36 =	vmul.f32 v17, v29;
	v30 =	vand.u32 $0x1, v60  }
0xa3: {  	v37 =	vld [tilespmem:$0x4730];
	v38 =	vmul.f32 v17, v31;
	v11 =	vadd.f32 v52, v11;
	v19 =	vadd.s32 v30, v27  }
0xa4: {  	v35 =	vld [tilespmem:$0x4720];
	v21 =	vadd.f32 v58, v21;
	v12 =	vadd.f32 v15, v12;
	v19 =	vadd.s32 $0x7FFF, v19  }
0xa5: {  	v16 =	vadd.f32 v33, v16;
	v10 =	vadd.f32 v10, v11;
	v19 =	vand.u32 $0xFFFF0000, v19  }
0xa6: {  	v11 =	vadd.f32 v61, v21;
	v12 =	vadd.f32 v38, v12;
	v20 =	vmul.f32 v19, v39  }
0xa7: {  	v16 =	vadd.f32 v36, v16;
	v13 =	vmul.f32 v19, v57;
	v39 =	vmul.f32 v18, v32  }
0xa8: {  	v43 =	vmul.f32 v19, v37;
	v12 =	vadd.f32 v40, v12;
	v10 =	vadd.f32 v20, v10  }
0xa9: {  	v42 =	vmul.f32 v19, v35;
	v11 =	vadd.f32 v13, v11;
	v41 =	vadd.f32 v39, v16  }
0xaa: {  	v8 =	vnsel vm13, $0x0, v8;
	v12 =	vadd.f32 v43, v12;
	v10 =	vmul.f32 v10, v9  }
0xab: {  	v7 =	vnsel vm15, $0x0, v7;
	v14 =	vadd.f32 v42, v41;
	v11 =	vmul.f32 v11, v8  }
0xac: {  	v6 =	vnsel vm14, $0x0, v6;
	v12 =	vmul.f32 v12, v7;
	v10 =	vmul.f32 $4.082483050e-01, v10  }
0xad: {  	v11 =	vmul.f32 $4.082483050e-01, v11;
	v44 =	vmul.f32 v14, v6  }
0xae: {  	v12 =	vmul.f32 $4.082483050e-01, v12;
	v10 =	vadd.f32 v10, v9  }
0xaf: {  	v11 =	vadd.f32 v11, v8;
	v13 =	vmul.f32 $4.082483050e-01, v44  }
0xb0: {  	v48 =	vld [tilespmem:$0x4890];
	v12 =	vadd.f32 v12, v7;
	v45 =	vshrl.u32 v10, $0x10  }
0xb1: {  	v46 =	vld [tilespmem:$0x4880];
	v13 =	vadd.f32 v13, v6;
	v47 =	vshrl.u32 v11, $0x10;
	v14 =	vand.u32 $0x1, v45  }
0xb2: {  	v16 =	vand.u32 $0x1, v47;
	v53 =	vshrl.u32 v12, $0x10;
	v14 =	vadd.s32 v14, v10  }
0xb3: {  	v50 =	vld [tilespmem:$0x48A0];
	v16 =	vadd.s32 v16, v11;
	v49 =	vshrl.u32 v13, $0x10;
	v55 =	vand.u32 $0x1, v53  }
0xb4: {  	v14 =	vadd.s32 $0x7FFF, v14;
	v51 =	vadd.s32 $0x7FFF, v16;
	v52 =	vand.u32 $0x1, v49  }
0xb5: {  	v54 =	vld [tilespmem:$0x48B0];
	v14 =	vand.u32 $0xFFFF0000, v14;
	v15 =	vand.u32 $0xFFFF0000, v51;
	v16 =	vadd.s32 v52, v13  }
0xb6: {  	v14 =	vmul.f32 v14, v46;
	v15 =	vmul.f32 v15, v48;
	v16 =	vadd.s32 $0x7FFF, v16  }
0xb7: {  	v17 =	vadd.s32 v55, v12;
	v16 =	vand.u32 $0xFFFF0000, v16  }
0xb8: {  	v57 =	vadd.s32 $0x7FFF, v17;
	v14 =	vadd.f32 v15, v14;
	v56 =	vmul.f32 v16, v50  }
0xb9: {  	v16 =	vand.u32 $0xFFFF0000, v57  }
0xba: {  	v58 =	vmul.f32 v16, v54;
	v14 =	vadd.f32 v56, v14;
	_ =	sdelay $0x1  }
0xbb: {  	v14 =	vadd.f32 v58, v14;
	_ =	sdelay $0x1  }
0xbc: {  	(xrf2) =	vadd.scan.msk.f32 $0xffff, v14;
	_ =	sdelay $0x7  }
0xbd: {  	v59 =	vld [tilespmem:$0x4900];
	_ =	sdelay $0x1  }
0xbe: {  	v60, _, _ =	vpop (xrf2)  }
0xbf: {  	v15 =	vbroadcast v60, $0xF;
	_ =	sdelay $0x1  }
0xc0: {  	v14 =	vadd.f32 v15, v59;
	_ =	sdelay $0x1  }
0xc1: {  	v14 =	vsub.f32 $0.0e+00, v14;
	_ =	sdelay $0x1  }
0xc2: {  	v14 =	vmul.f32 $1.442695020e+00, v14;
	_ =	sdelay $0x1  }
0xc3: {  	(erf) = vpow2.f32 v14;
	_ =	sdelay $0x8  }
0xc4: {  	v14 =	vpop (erf)  }
0xc5: {  	v14 =	vadd.f32 $1.000000000e+00, v14;
	_ =	sdelay $0x1  }
0xc6: {  	(erf) = vrcp.f32 v14;
	_ =	sdelay $0x8  }
0xc7: {  	v14 =	vpop (erf)  }
0xc8: {  	v61 =	vsub.f32 $1.000000000e+00, v14;
	_ =	sdelay $0x1  }
0xc9: {  	v10 =	vmul.f32 v14, v10;
	v9 =	vmul.f32 v61, v9  }
0xca: {  	s23 =	sadd.s32 $0x1, s23;
	v11 =	vmul.f32 v14, v11;
	v8 =	vmul.f32 v61, v8  }
0xcb: {  	p0 =	sne.s32 s23, $0x20;
	v62 =	vmul.f32 v14, v13;
	v6 =	vmul.f32 v61, v6;
	v9 =	vadd.f32 v9, v10  }
.Ltmp2:
0xcc: {  	v63 =	vmul.f32 v14, v12;
	v7 =	vmul.f32 v61, v7;
	v8 =	vadd.f32 v8, v11;
	(pc) =	sbr.rel @p0 .LBB2_2-.Ltmp2, $4  }
0xcd: {  	v6 =	vadd.f32 v6, v62;
	[tilespmem:s24+$0x1000] =	vst v9  }
0xce: {  	v7 =	vadd.f32 v7, v63;
	[tilespmem:s28+$0x1000] =	vst v8  }
0xcf: {  	[tilespmem:s25+$0x1000] =	vst v6  }
0xd0: {  	[tilespmem:s26+$0x1000] =	vst v7  }
0xd1: {  	s22 =	sadd.s32 $0x1, s22  }
0xd2: {  	p0 =	sne.s32 s22, s11  }
.Ltmp3:
0xd3: {  	_ = 	snop;
	(pc) =	sbr.rel @p0 .LBB2_1-.Ltmp3, $4  }
0xd4: {  	[hbm4b:s10+s2] =	stream.linear.scatter [tilespmem:s21], [sflag:$0x1], $0x1000, $0x38;
	[tilespmem:$0x4A80] =	vst v63  }
0xd5: {  	_ =	swait.ge [sflag:s13], $0x1000  }
0xd6: {  	[sflag:s13] =	ssyncset.done $0x0  }
0xd7: {  	[sflag:s13] =	ssyncadd.s32 $0xFFFFF000  }
0xd8: {  	_ =	sfence.sel $0x180000  }
0xd9: {  	[bflag:$0x0] =	sbarrier.arrive $0xFFFF  }
0xda: {  	p0 =	sne.s32 s3, $0x0;
	_ =	strace $0x90000047  }
0xdb: {  	s0 =	sadd.s32 @!p0 $0x100000, s0;
	[bflag:$0x2] =	sbarrier.arrive $0xFFFF  }
0xdc: {  	[sflag:s0] =	ssyncadd.tile.s32 @!p0 $0x1;
	_ =	shalt  }
.Lfunc_end2:
_tile_overlayer_lowered:
.L_overlay_start_2:
0xdd: {  	(tag) =	ssettag $0x2  }
0xde: {  	s0 =	rddreg [dreg:$0x0];
	s2 =	stileid.u32  }
0xdf: {  	s1 =	rddreg [dreg:$0x1];
	p0 =	sne.s32 s2, $0x0  }
0xe0: {  	s3 =	rddreg [dreg:$0x2];
	[bflag:$0x3] =	sbarrier.arrive $0xFFFF;
	s2 =	simm.s32 @!p0 $0x1C01  }
0xe1: {  	[timem:s3], [sflag:s2] =	dma.local @!p0 [hbm:s0], s1  }
0xe2: {  	s0 =	simm.s32 @!p0 $0x1  }
0xe3: {  	_ =	swait.ge @!p0 [sflag:s0], s1  }
0xe4: {  	s1 =	ssub.s32 @!p0 $0x0, s1;
	[sflag:s0] =	ssyncset.done @!p0 $0x0  }
0xe5: {  	[sflag:s0] =	ssyncadd.s32 @!p0 s1  }
0xe6: {  	[bflag:$0x3] =	sbarrier.arrive $0xFFFF  }
0xe7: {  	_ =	shalt  }

</sc_bundles>
